<compile_context>
chip_gen: v7x
topology: tpu7x:2x2x1
jax: 0.10.2.dev20260603
libtpu: 0.0.44.dev20260713+nightly
codegen_flags: <defaults>
</compile_context>

<pallas_src>
import functools

import jax
import jax.numpy as jnp
from jax import lax
from jax.experimental import pallas as pl
from jax.experimental.pallas import tpu as pltpu
from jax.experimental.pallas import tpu_sc as plsc

_NC = 2
_NS = 16
_NW = _NC * _NS
_LANES = 16
_WIN = 1152


def _index_kernel(pts_ref, prod_ref, k_ref, t_ref, r_ref, idx_ref, bnd_ref,
                  *, nbins):
    rt = jnp.concatenate([r_ref[...], t_ref[...]], axis=1)
    km = k_ref[...]
    p = (km[:, 0:1] * rt[0:1, :]
         + km[:, 1:2] * rt[1:2, :]
         + km[:, 2:3] * rt[2:3, :])

    x = pts_ref[0]
    y = pts_ref[1]
    z = pts_ref[2]

    def row(i):
        return (p[i:i + 1, 0:1] * x + p[i:i + 1, 1:2] * y
                + p[i:i + 1, 2:3] * z + p[i:i + 1, 3:4])

    u = row(0)
    v = row(1)
    w = row(2)
    ru = jnp.round(u / w)
    rv = jnp.round(v / w)
    rw = jnp.round(w / w)
    idxf = (prod_ref[0:1, :] * ru + prod_ref[1:2, :] * rv
            + prod_ref[2:3, :] * rw)
    idx = jnp.clip(idxf.astype(jnp.int32), 0, nbins - 1)
    idx_ref[...] = idx
    bnd_ref[0] = jnp.min(idx)
    bnd_ref[1] = jnp.max(idx)


def _hist_kernel(idx_hbm, cnt_hbm, idx_v, hist_v, res_v):
    wid = lax.axis_index("s") * _NC + lax.axis_index("c")
    pltpu.sync_copy(idx_hbm.at[wid], idx_v)

    zeros16 = jnp.zeros((_LANES,), jnp.float32)

    def mm_body(c, carry):
        vmin, vmax = carry
        iv = idx_v[pl.ds(c * _LANES, _LANES)]
        return jnp.minimum(vmin, iv), jnp.maximum(vmax, iv)

    vmin0 = jnp.full((_LANES,), 4095, jnp.int32)
    vmax0 = jnp.zeros((_LANES,), jnp.int32)
    vmin, vmax = lax.fori_loop(0, 1024 // _LANES, mm_body, (vmin0, vmax0))
    lo_c = lax.reduce_min(vmin, axes=(0,)) // _LANES
    hi_c = lax.reduce_max(vmax, axes=(0,)) // _LANES
    nwin = hi_c - lo_c + 1

    def zero_body(c, carry):
        base = (lo_c + c) * _LANES
        for l in range(_LANES):
            hist_v[pl.ds(l * 4096 + base, _LANES)] = zeros16
        return carry

    lax.fori_loop(0, nwin, zero_body, 0)

    def zres_body(c, carry):
        res_v[pl.ds(c * _LANES, _LANES)] = zeros16
        return carry

    lax.fori_loop(0, 4096 // _LANES, zres_body, 0)

    lane_off = lax.iota(jnp.int32, _LANES) * 4096
    ones16 = jnp.ones((_LANES,), jnp.float32)

    def scat_body(c, carry):
        iv = idx_v[pl.ds(c * _LANES, _LANES)]
        plsc.addupdate_scatter(hist_v, [lane_off + iv], ones16)
        return carry

    lax.fori_loop(0, 1024 // _LANES, scat_body, 0)

    def red_body(c, carry):
        base = (lo_c + c) * _LANES
        acc = hist_v[pl.ds(base, _LANES)]
        for l in range(1, _LANES):
            acc = acc + hist_v[pl.ds(l * 4096 + base, _LANES)]
        res_v[pl.ds(base, _LANES)] = acc
        return carry

    lax.fori_loop(0, nwin, red_body, 0)
    pltpu.sync_copy(res_v, cnt_hbm.at[wid])


def _make_hist_call():
    return functools.partial(
        pl.kernel,
        mesh=plsc.VectorSubcoreMesh(core_axis_name="c", subcore_axis_name="s",
                                    num_cores=_NC, num_subcores=_NS),
        out_type=jax.ShapeDtypeStruct((_NW, 4096), jnp.float32),
        compiler_params=pltpu.CompilerParams(needs_layout_passes=False),
        scratch_types=[
            pltpu.VMEM((1024,), jnp.int32),
            pltpu.VMEM((_LANES * 4096,), jnp.float32),
            pltpu.VMEM((4096,), jnp.float32),
        ],
    )(_hist_kernel)


def _loss_kernel(cnt_ref, plate_ref, out_ref, acc_ref, *, inv_b):
    j = pl.program_id(0)

    @pl.when(j == 0)
    def _():
        acc_ref[...] = jnp.zeros_like(acc_ref)

    diff = cnt_ref[0] - cnt_ref[1]
    pv = plate_ref[...].astype(jnp.float32)
    acc_ref[...] += jnp.dot(diff, pv, preferred_element_type=jnp.float32)

    @pl.when(j == pl.num_programs(0) - 1)
    def _():
        out_ref[...] = jnp.reshape(
            jnp.sum(jnp.abs(acc_ref[...])) * inv_b, (1, 1))


def _loss_call(cntW, plateW, B, bkw):
    ncols = plateW.shape[1]
    width = cntW.shape[2]
    return pl.pallas_call(
        functools.partial(_loss_kernel, inv_b=1.0 / B),
        grid=(width // bkw,),
        in_specs=[
            pl.BlockSpec((2, B, bkw), lambda j: (0, 0, j)),
            pl.BlockSpec((bkw, ncols), lambda j: (j, 0)),
        ],
        out_specs=pl.BlockSpec((1, 1), lambda j: (0, 0)),
        out_shape=jax.ShapeDtypeStruct((1, 1), jnp.float32),
        scratch_shapes=[pltpu.VMEM((B, ncols), jnp.float32)],
    )(cntW, plateW)


def kernel(gt_batch, res_batch, plate, K, T, R1, R2, R3, prod):
    del R2, R3
    B, N, _ = gt_batch.shape
    S = 2 * B
    nbins = plate.shape[0]
    ncols = plate.shape[1] * plate.shape[2]

    pts = jnp.stack([gt_batch, res_batch])
    pts_t = jnp.moveaxis(pts, 3, 0).reshape(3, S, N)

    idx, bnd = pl.pallas_call(
        functools.partial(_index_kernel, nbins=nbins),
        out_specs=(
            pl.BlockSpec((S, N), lambda: (0, 0)),
            pl.BlockSpec(memory_space=pltpu.SMEM),
        ),
        out_shape=(
            jax.ShapeDtypeStruct((S, N), jnp.int32),
            jax.ShapeDtypeStruct((2,), jnp.int32),
        ),
    )(pts_t, prod, K, T, R1)

    cnt = _make_hist_call()(idx)
    cnt3 = cnt.reshape(2, B, nbins)

    lo, hi = bnd[0], bnd[1]
    start = jnp.minimum(lo, nbins - _WIN)

    def windowed(_):
        plateW = lax.dynamic_slice(
            plate, (start, 0, 0), (_WIN,) + plate.shape[1:]
        ).reshape(_WIN, ncols).astype(jnp.bfloat16)
        cntW = lax.dynamic_slice(cnt3, (0, 0, start), (2, B, _WIN))
        return _loss_call(cntW, plateW, B, _WIN // 3)

    def full(_):
        plateF = plate.reshape(nbins, ncols)
        return _loss_call(cnt3, plateF, B, 512)

    loss = lax.cond(hi - start < _WIN, windowed, full, operand=None)
    return loss[0, 0]

# --- scband reference (transcript-rebuilt; emitter-appended) ---
"""Pipeline reference for scband-projection-loss-23003844837928 (READ-ONLY COPY).

The authoritative reference and input builder live on the scoring server;
editing this copy changes nothing except your own understanding.
"""

import jax, jax.numpy as jnp
import numpy as np
import math


def _axis_rot(axis, angle):
    c, s = math.cos(angle), math.sin(angle)
    if axis == 'X':
        return np.array([[1, 0, 0], [0, c, -s], [0, s, c]], np.float32)
    if axis == 'Y':
        return np.array([[c, 0, s], [0, 1, 0], [-s, 0, c]], np.float32)
    return np.array([[c, -s, 0], [s, c, 0], [0, 0, 1]], np.float32)


def _euler_xyz(angles):
    # pytorch3d euler_angles_to_matrix with convention 'XYZ': Rx @ Ry @ Rz
    return _axis_rot('X', angles[0]) @ _axis_rot('Y', angles[1]) @ _axis_rot('Z', angles[2])


def _gaussian_block(sigma, k):
    arr = np.zeros((k, k), np.float32)
    for i in range(k):
        for j in range(k):
            arr[i, j] = math.exp(-((i - k // 2) ** 2 + (j - k // 2) ** 2) / (2 * sigma * sigma)) / (2 * math.pi * sigma * sigma)
    return arr


def _build_plate(sigma, k):
    blur = _gaussian_block(sigma, k)
    plate = np.zeros((64 * 64, 64, 64), np.float32)
    for idx in range(64):
        for idy in range(64):
            for i in range(k):
                for j in range(k):
                    a = idx - k // 2 + i
                    b = idy - k // 2 + j
                    if 0 <= a < 64 and 0 <= b < 64:
                        plate[idx * 64 + idy, a, b] += blur[i, j]
    return plate


def setup_inputs(seed: int = 0) -> dict:
    key = jax.random.key(seed)
    k1, k2 = jax.random.split(key)
    B = 16
    gt_batch = jax.random.uniform(k1, (B, 1024, 3), dtype=jnp.float32)
    res_batch = jax.random.uniform(k2, (B, 1024, 3), dtype=jnp.float32)
    fc = 40.0
    u0 = 32.0
    d = 2.5
    K = jnp.array([[fc, 0.0, u0], [0.0, fc, u0], [0.0, 0.0, 1.0]], jnp.float32)
    T = jnp.array([[0.0], [0.0], [d]], jnp.float32)
    rotations = [[0.0, 0.0, 0.0], [0.0, math.pi / 2, 0.0], [math.pi / 2, 0.0, 0.0]]
    R1 = jnp.asarray(_euler_xyz(rotations[0]))
    R2 = jnp.asarray(_euler_xyz(rotations[1]))
    R3 = jnp.asarray(_euler_xyz(rotations[2]))
    prod = jnp.asarray(np.stack([64 * np.ones(1024), np.ones(1024), np.zeros(1024)]).astype(np.float32))
    plate = jnp.asarray(_build_plate(1.2, 5))
    return {"gt_batch": gt_batch, "res_batch": res_batch, "plate": plate, "K": K, "T": T, "R1": R1, "R2": R2, "R3": R3, "prod": prod}


def _proj_view(points, R, K, T, prod, plate):
    B, N, _ = points.shape
    ones = jnp.ones((B, N, 1), points.dtype)
    P = K @ jnp.concatenate((R, T), axis=1)  # [3,4]
    ph = jnp.concatenate((jax.lax.stop_gradient(points), ones), axis=2)  # [B,N,4]
    proj1 = jnp.einsum('ij,bnj->bin', P, ph)  # [B,3,N]
    proj2 = proj1 / proj1[:, 2, :][:, None, :]
    proj3 = jnp.sum(prod[None, :, :] * jnp.round(proj2), axis=1).astype(jnp.int32)  # [B,N]
    gathered = jnp.take(plate, proj3, axis=0)  # [B,N,64,64]
    return jnp.sum(gathered, axis=1).reshape(B, -1)


def reference(gt_batch, res_batch, plate, K, T, R1, R2, R3, prod):
    # faithful to original (views 2 and 3 use res_batch for both gt and pred, as in source)
    gt_proj1 = _proj_view(gt_batch, R1, K, T, prod, plate)
    pred_proj1 = _proj_view(res_batch, R1, K, T, prod, plate)
    gt_proj2 = _proj_view(res_batch, R2, K, T, prod, plate)
    pred_proj2 = _proj_view(res_batch, R2, K, T, prod, plate)
    gt_proj3 = _proj_view(res_batch, R3, K, T, prod, plate)
    pred_proj3 = _proj_view(res_batch, R3, K, T, prod, plate)
    loss = (jnp.sum(jnp.abs(gt_proj1 - pred_proj1))
            + jnp.sum(jnp.abs(gt_proj2 - pred_proj2))
            + jnp.sum(jnp.abs(gt_proj3 - pred_proj3)))
    # view_reduction == 'sum': no division; batch_reduction == 'mean':
    loss = loss / gt_batch.shape[0]
    return loss

if __name__ == "__main__":
    import jax
    _d = setup_inputs()
    print(jax.jit(kernel)(*tuple(_d.values())))

</pallas_src>

<mosaic_0001>
#map = affine_map<(d0, d1) -> (0, 0)>
module attributes {stable_mosaic.version = 14 : i64} {
  func.func @_hist_kernel(%arg0: i32, %arg1: i32, %arg2: memref<32x1024xi32, #tpu.memory_space<hbm>>, %arg3: memref<32x4096xf32, #tpu.memory_space<hbm>>, %arg4: memref<1024xi32, #tpu.memory_space<vmem>>, %arg5: memref<65536xf32, #tpu.memory_space<vmem>>, %arg6: memref<4096xf32, #tpu.memory_space<vmem>>) attributes {dimension_semantics = [#tpu.dimension_semantics<core_parallel>, #tpu.dimension_semantics<subcore_parallel>], iteration_bounds = array<i64: 2, 16>, scalar_prefetch = 0 : i64, scratch_operands = 3 : i64, tpu.core_type = #tpu.core_type<sc_vector_subcore>, window_params = [{transform_indices = #map}, {transform_indices = #map}]} {
    %mul3A = arith.constant 2 : i32
    %mul3A_0 = arith.muli %arg1, %mul3A : i32
    %add3A = arith.addi %mul3A_0, %arg0 : i32
    "tpu.region"() ({
      %run_scoped3A = tpu.sem_alloc : memref<!tpu.dma_semaphore, #tpu.memory_space<semaphore_mem>>
      %dma_start3A = arith.constant 0 : i32
      %dma_start3A_104 = tpu.memref_slice %arg2[%add3A, %dma_start3A] : memref<32x1024xi32, #tpu.memory_space<hbm>> -> memref<1x1024xi32, #tpu.memory_space<hbm>>
      %dma_start3A_105 = tpu.memref_squeeze %dma_start3A_104 : memref<1x1024xi32, #tpu.memory_space<hbm>> -> memref<1024xi32, #tpu.memory_space<hbm>>
      %dma_start3A_106 = arith.constant 0 : i32
      %dma_start3A_107 = tpu.memref_slice %arg2[%add3A, %dma_start3A_106] : memref<32x1024xi32, #tpu.memory_space<hbm>> -> memref<1x1024xi32, #tpu.memory_space<hbm>>
      %dma_start3A_108 = tpu.memref_squeeze %dma_start3A_107 : memref<1x1024xi32, #tpu.memory_space<hbm>> -> memref<1024xi32, #tpu.memory_space<hbm>>
      tpu.enqueue_dma source(%dma_start3A_108 : memref<1024xi32, #tpu.memory_space<hbm>>) target(%arg4 : memref<1024xi32, #tpu.memory_space<vmem>>) target_semaphore(%run_scoped3A : memref<!tpu.dma_semaphore, #tpu.memory_space<semaphore_mem>>)
      %dma_wait3A = arith.constant 0 : i32
      %dma_wait3A_109 = tpu.memref_slice %arg2[%add3A, %dma_wait3A] : memref<32x1024xi32, #tpu.memory_space<hbm>> -> memref<1x1024xi32, #tpu.memory_space<hbm>>
      %dma_wait3A_110 = tpu.memref_squeeze %dma_wait3A_109 : memref<1x1024xi32, #tpu.memory_space<hbm>> -> memref<1024xi32, #tpu.memory_space<hbm>>
      %dma_wait3A_111 = arith.constant 0 : i32
      %dma_wait3A_112 = tpu.memref_slice %arg2[%add3A, %dma_wait3A_111] : memref<32x1024xi32, #tpu.memory_space<hbm>> -> memref<1x1024xi32, #tpu.memory_space<hbm>>
      %dma_wait3A_113 = tpu.memref_squeeze %dma_wait3A_112 : memref<1x1024xi32, #tpu.memory_space<hbm>> -> memref<1024xi32, #tpu.memory_space<hbm>>
      tpu.wait_dma2 semaphore(%run_scoped3A : memref<!tpu.dma_semaphore, #tpu.memory_space<semaphore_mem>>) src(%dma_wait3A_113 : memref<1024xi32, #tpu.memory_space<hbm>>) dst(%arg4 : memref<1024xi32, #tpu.memory_space<vmem>>)
      tpu.yield
    }) : () -> ()
    %broadcast_in_dim3A = arith.constant 0.000000e+00 : f32
    %broadcast_in_dim3A_1 = vector.broadcast %broadcast_in_dim3A : f32 to vector<16xf32>
    %broadcast_in_dim3A_2 = arith.constant 4095 : i32
    %broadcast_in_dim3A_3 = vector.broadcast %broadcast_in_dim3A_2 : i32 to vector<16xi32>
    %broadcast_in_dim3A_4 = arith.constant 0 : i32
    %broadcast_in_dim3A_5 = vector.broadcast %broadcast_in_dim3A_4 : i32 to vector<16xi32>
    %scan3A = arith.constant 0 : i32
    %scan3A_6 = arith.constant 64 : i32
    %scan3A_7 = arith.addi %scan3A, %scan3A_6 : i32
    %scan3A_8 = arith.constant 1 : i32
    %scan3A_9:2 = scf.for %scan3A_104 = %scan3A to %scan3A_7 step %scan3A_8 iter_args(%scan3A_105 = %broadcast_in_dim3A_3, %scan3A_106 = %broadcast_in_dim3A_5) -> (vector<16xi32>, vector<16xi32>)  : i32 {
      %mul3A_107 = arith.constant 16 : i32
      %mul3A_108 = arith.muli %scan3A_104, %mul3A_107 : i32
      %get3A = arith.index_cast %mul3A_108 : i32 to index
      %get3A_109 = tpu.vector_load %arg4[%get3A] {strides = array<i32>} : memref<1024xi32, #tpu.memory_space<vmem>>, vector<16xi32>,
      %min3A = arith.minsi %scan3A_105, %get3A_109 : vector<16xi32>
      %max3A = arith.maxsi %scan3A_106, %get3A_109 : vector<16xi32>
      scf.yield %min3A, %max3A : vector<16xi32>, vector<16xi32>
    }
    %scan3A_10 = arith.constant 64 : i32
    %reduce_min3A = arith.constant true
    %reduce_min3A_11 = vector.broadcast %reduce_min3A : i1 to vector<16xi1>
    %reduce_min3A_12 = arith.constant -2147483648 : i32
    %reduce_min3A_13 = vector.broadcast %reduce_min3A_12 : i32 to vector<16xi32>
    %reduce_min3A_14 = arith.xori %scan3A_9#0, %reduce_min3A_13 : vector<16xi32>
    %reduce_min3A_15 = tpu.scan <min>, %reduce_min3A_14 masked %reduce_min3A_11 : vector<16xi32>, vector<16xi1> -> vector<16xi32>
    %reduce_min3A_16 = arith.xori %reduce_min3A_15, %reduce_min3A_13 : vector<16xi32>
    %reduce_min3A_17 = vector.extract %reduce_min3A_16[15] : i32 from vector<16xi32>
    %jit3A = arith.constant 16 : i32
    %div3A = arith.divsi %reduce_min3A_17, %jit3A : i32
    %sign3A = arith.constant 0 : i32
    %sign3A_18 = arith.cmpi sgt, %reduce_min3A_17, %sign3A : i32
    %sign3A_19 = arith.extui %sign3A_18 : i1 to i32
    %sign3A_20 = arith.constant 0 : i32
    %sign3A_21 = arith.cmpi slt, %reduce_min3A_17, %sign3A_20 : i32
    %sign3A_22 = arith.extui %sign3A_21 : i1 to i32
    %sign3A_23 = arith.subi %sign3A_19, %sign3A_22 : i32
    %sign3A_24 = arith.constant 0 : i32
    %sign3A_25 = arith.cmpi sgt, %jit3A, %sign3A_24 : i32
    %sign3A_26 = arith.extui %sign3A_25 : i1 to i32
    %sign3A_27 = arith.constant 0 : i32
    %sign3A_28 = arith.cmpi slt, %jit3A, %sign3A_27 : i32
    %sign3A_29 = arith.extui %sign3A_28 : i1 to i32
    %sign3A_30 = arith.subi %sign3A_26, %sign3A_29 : i32
    %ne3A = arith.cmpi ne, %sign3A_23, %sign3A_30 : i32
    %rem3A = arith.remsi %reduce_min3A_17, %jit3A : i32
    %ne3A_31 = arith.constant 0 : i32
    %ne3A_32 = arith.cmpi ne, %rem3A, %ne3A_31 : i32
    %and3A = arith.andi %ne3A, %ne3A_32 : i1
    %sub3A = arith.constant 1 : i32
    %sub3A_33 = arith.subi %div3A, %sub3A : i32
    %select_n3A = arith.select %and3A, %sub3A_33, %div3A : i32
    %reduce_max3A = arith.constant true
    %reduce_max3A_34 = vector.broadcast %reduce_max3A : i1 to vector<16xi1>
    %reduce_max3A_35 = arith.constant -2147483648 : i32
    %reduce_max3A_36 = vector.broadcast %reduce_max3A_35 : i32 to vector<16xi32>
    %reduce_max3A_37 = arith.xori %scan3A_9#1, %reduce_max3A_36 : vector<16xi32>
    %reduce_max3A_38 = tpu.scan <max>, %reduce_max3A_37 masked %reduce_max3A_34 : vector<16xi32>, vector<16xi1> -> vector<16xi32>
    %reduce_max3A_39 = arith.xori %reduce_max3A_38, %reduce_max3A_36 : vector<16xi32>
    %reduce_max3A_40 = vector.extract %reduce_max3A_39[15] : i32 from vector<16xi32>
    %jit3A_41 = arith.constant 16 : i32
    %div3A_42 = arith.divsi %reduce_max3A_40, %jit3A_41 : i32
    %sign3A_43 = arith.constant 0 : i32
    %sign3A_44 = arith.cmpi sgt, %reduce_max3A_40, %sign3A_43 : i32
    %sign3A_45 = arith.extui %sign3A_44 : i1 to i32
    %sign3A_46 = arith.constant 0 : i32
    %sign3A_47 = arith.cmpi slt, %reduce_max3A_40, %sign3A_46 : i32
    %sign3A_48 = arith.extui %sign3A_47 : i1 to i32
    %sign3A_49 = arith.subi %sign3A_45, %sign3A_48 : i32
    %sign3A_50 = arith.constant 0 : i32
    %sign3A_51 = arith.cmpi sgt, %jit3A_41, %sign3A_50 : i32
    %sign3A_52 = arith.extui %sign3A_51 : i1 to i32
    %sign3A_53 = arith.constant 0 : i32
    %sign3A_54 = arith.cmpi slt, %jit3A_41, %sign3A_53 : i32
    %sign3A_55 = arith.extui %sign3A_54 : i1 to i32
    %sign3A_56 = arith.subi %sign3A_52, %sign3A_55 : i32
    %ne3A_57 = arith.cmpi ne, %sign3A_49, %sign3A_56 : i32
    %rem3A_58 = arith.remsi %reduce_max3A_40, %jit3A_41 : i32
    %ne3A_59 = arith.constant 0 : i32
    %ne3A_60 = arith.cmpi ne, %rem3A_58, %ne3A_59 : i32
    %and3A_61 = arith.andi %ne3A_57, %ne3A_60 : i1
    %sub3A_62 = arith.constant 1 : i32
    %sub3A_63 = arith.subi %div3A_42, %sub3A_62 : i32
    %select_n3A_64 = arith.select %and3A_61, %sub3A_63, %div3A_42 : i32
    %sub3A_65 = arith.subi %select_n3A_64, %select_n3A : i32
    %add3A_66 = arith.constant 1 : i32
    %add3A_67 = arith.addi %sub3A_65, %add3A_66 : i32
    %while3A = arith.constant 0 : i32
    %while3A_68 = arith.constant 0 : i32
    %while3A_69 = arith.subi %add3A_67, %while3A_68 : i32
    %while3A_70 = arith.addi %while3A_68, %while3A_69 : i32
    %while3A_71 = arith.constant 1 : i32
    %while3A_72 = arith.divsi %while3A_69, %while3A_71 : i32
    %while3A_73 = arith.muli %while3A_72, %while3A_71 : i32
    %while3A_74 = arith.addi %while3A_68, %while3A_73 : i32
    %while3A_75 = arith.constant 1 : i32
    scf.for %while3A_104 = %while3A_68 to %while3A_74 step %while3A_75  : i32 {
      %add3A_105 = arith.addi %select_n3A, %while3A_104 : i32
      %mul3A_106 = arith.constant 16 : i32
      %mul3A_107 = arith.muli %add3A_105, %mul3A_106 : i32
      %add3A_108 = arith.constant 0 : i32
      %add3A_109 = arith.addi %add3A_108, %mul3A_107 : i32
      %swap3A = arith.index_cast %add3A_109 : i32 to index
      %swap3A_110 = tpu.vector_load %arg5[%swap3A] {strides = array<i32>} : memref<65536xf32, #tpu.memory_space<vmem>>, vector<16xf32>,
      tpu.vector_store %arg5[%swap3A], %broadcast_in_dim3A_1 {strides = array<i32>} : memref<65536xf32, #tpu.memory_space<vmem>>, vector<16xf32>,
      %add3A_111 = arith.constant 4096 : i32
      %add3A_112 = arith.addi %add3A_111, %mul3A_107 : i32
      %swap3A_113 = arith.index_cast %add3A_112 : i32 to index
      %swap3A_114 = tpu.vector_load %arg5[%swap3A_113] {strides = array<i32>} : memref<65536xf32, #tpu.memory_space<vmem>>, vector<16xf32>,
      tpu.vector_store %arg5[%swap3A_113], %broadcast_in_dim3A_1 {strides = array<i32>} : memref<65536xf32, #tpu.memory_space<vmem>>, vector<16xf32>,
      %add3A_115 = arith.constant 8192 : i32
      %add3A_116 = arith.addi %add3A_115, %mul3A_107 : i32
      %swap3A_117 = arith.index_cast %add3A_116 : i32 to index
      %swap3A_118 = tpu.vector_load %arg5[%swap3A_117] {strides = array<i32>} : memref<65536xf32, #tpu.memory_space<vmem>>, vector<16xf32>,
      tpu.vector_store %arg5[%swap3A_117], %broadcast_in_dim3A_1 {strides = array<i32>} : memref<65536xf32, #tpu.memory_space<vmem>>, vector<16xf32>,
      %add3A_119 = arith.constant 12288 : i32
      %add3A_120 = arith.addi %add3A_119, %mul3A_107 : i32
      %swap3A_121 = arith.index_cast %add3A_120 : i32 to index
      %swap3A_122 = tpu.vector_load %arg5[%swap3A_121] {strides = array<i32>} : memref<65536xf32, #tpu.memory_space<vmem>>, vector<16xf32>,
      tpu.vector_store %arg5[%swap3A_121], %broadcast_in_dim3A_1 {strides = array<i32>} : memref<65536xf32, #tpu.memory_space<vmem>>, vector<16xf32>,
      %add3A_123 = arith.constant 16384 : i32
      %add3A_124 = arith.addi %add3A_123, %mul3A_107 : i32
      %swap3A_125 = arith.index_cast %add3A_124 : i32 to index
      %swap3A_126 = tpu.vector_load %arg5[%swap3A_125] {strides = array<i32>} : memref<65536xf32, #tpu.memory_space<vmem>>, vector<16xf32>,
      tpu.vector_store %arg5[%swap3A_125], %broadcast_in_dim3A_1 {strides = array<i32>} : memref<65536xf32, #tpu.memory_space<vmem>>, vector<16xf32>,
      %add3A_127 = arith.constant 20480 : i32
      %add3A_128 = arith.addi %add3A_127, %mul3A_107 : i32
      %swap3A_129 = arith.index_cast %add3A_128 : i32 to index
      %swap3A_130 = tpu.vector_load %arg5[%swap3A_129] {strides = array<i32>} : memref<65536xf32, #tpu.memory_space<vmem>>, vector<16xf32>,
      tpu.vector_store %arg5[%swap3A_129], %broadcast_in_dim3A_1 {strides = array<i32>} : memref<65536xf32, #tpu.memory_space<vmem>>, vector<16xf32>,
      %add3A_131 = arith.constant 24576 : i32
      %add3A_132 = arith.addi %add3A_131, %mul3A_107 : i32
      %swap3A_133 = arith.index_cast %add3A_132 : i32 to index
      %swap3A_134 = tpu.vector_load %arg5[%swap3A_133] {strides = array<i32>} : memref<65536xf32, #tpu.memory_space<vmem>>, vector<16xf32>,
      tpu.vector_store %arg5[%swap3A_133], %broadcast_in_dim3A_1 {strides = array<i32>} : memref<65536xf32, #tpu.memory_space<vmem>>, vector<16xf32>,
      %add3A_135 = arith.constant 28672 : i32
      %add3A_136 = arith.addi %add3A_135, %mul3A_107 : i32
      %swap3A_137 = arith.index_cast %add3A_136 : i32 to index
      %swap3A_138 = tpu.vector_load %arg5[%swap3A_137] {strides = array<i32>} : memref<65536xf32, #tpu.memory_space<vmem>>, vector<16xf32>,
      tpu.vector_store %arg5[%swap3A_137], %broadcast_in_dim3A_1 {strides = array<i32>} : memref<65536xf32, #tpu.memory_space<vmem>>, vector<16xf32>,
      %add3A_139 = arith.constant 32768 : i32
      %add3A_140 = arith.addi %add3A_139, %mul3A_107 : i32
      %swap3A_141 = arith.index_cast %add3A_140 : i32 to index
      %swap3A_142 = tpu.vector_load %arg5[%swap3A_141] {strides = array<i32>} : memref<65536xf32, #tpu.memory_space<vmem>>, vector<16xf32>,
      tpu.vector_store %arg5[%swap3A_141], %broadcast_in_dim3A_1 {strides = array<i32>} : memref<65536xf32, #tpu.memory_space<vmem>>, vector<16xf32>,
      %add3A_143 = arith.constant 36864 : i32
      %add3A_144 = arith.addi %add3A_143, %mul3A_107 : i32
      %swap3A_145 = arith.index_cast %add3A_144 : i32 to index
      %swap3A_146 = tpu.vector_load %arg5[%swap3A_145] {strides = array<i32>} : memref<65536xf32, #tpu.memory_space<vmem>>, vector<16xf32>,
      tpu.vector_store %arg5[%swap3A_145], %broadcast_in_dim3A_1 {strides = array<i32>} : memref<65536xf32, #tpu.memory_space<vmem>>, vector<16xf32>,
      %add3A_147 = arith.constant 40960 : i32
      %add3A_148 = arith.addi %add3A_147, %mul3A_107 : i32
      %swap3A_149 = arith.index_cast %add3A_148 : i32 to index
      %swap3A_150 = tpu.vector_load %arg5[%swap3A_149] {strides = array<i32>} : memref<65536xf32, #tpu.memory_space<vmem>>, vector<16xf32>,
      tpu.vector_store %arg5[%swap3A_149], %broadcast_in_dim3A_1 {strides = array<i32>} : memref<65536xf32, #tpu.memory_space<vmem>>, vector<16xf32>,
      %add3A_151 = arith.constant 45056 : i32
      %add3A_152 = arith.addi %add3A_151, %mul3A_107 : i32
      %swap3A_153 = arith.index_cast %add3A_152 : i32 to index
      %swap3A_154 = tpu.vector_load %arg5[%swap3A_153] {strides = array<i32>} : memref<65536xf32, #tpu.memory_space<vmem>>, vector<16xf32>,
      tpu.vector_store %arg5[%swap3A_153], %broadcast_in_dim3A_1 {strides = array<i32>} : memref<65536xf32, #tpu.memory_space<vmem>>, vector<16xf32>,
      %add3A_155 = arith.constant 49152 : i32
      %add3A_156 = arith.addi %add3A_155, %mul3A_107 : i32
      %swap3A_157 = arith.index_cast %add3A_156 : i32 to index
      %swap3A_158 = tpu.vector_load %arg5[%swap3A_157] {strides = array<i32>} : memref<65536xf32, #tpu.memory_space<vmem>>, vector<16xf32>,
      tpu.vector_store %arg5[%swap3A_157], %broadcast_in_dim3A_1 {strides = array<i32>} : memref<65536xf32, #tpu.memory_space<vmem>>, vector<16xf32>,
      %add3A_159 = arith.constant 53248 : i32
      %add3A_160 = arith.addi %add3A_159, %mul3A_107 : i32
      %swap3A_161 = arith.index_cast %add3A_160 : i32 to index
      %swap3A_162 = tpu.vector_load %arg5[%swap3A_161] {strides = array<i32>} : memref<65536xf32, #tpu.memory_space<vmem>>, vector<16xf32>,
      tpu.vector_store %arg5[%swap3A_161], %broadcast_in_dim3A_1 {strides = array<i32>} : memref<65536xf32, #tpu.memory_space<vmem>>, vector<16xf32>,
      %add3A_163 = arith.constant 57344 : i32
      %add3A_164 = arith.addi %add3A_163, %mul3A_107 : i32
      %swap3A_165 = arith.index_cast %add3A_164 : i32 to index
      %swap3A_166 = tpu.vector_load %arg5[%swap3A_165] {strides = array<i32>} : memref<65536xf32, #tpu.memory_space<vmem>>, vector<16xf32>,
      tpu.vector_store %arg5[%swap3A_165], %broadcast_in_dim3A_1 {strides = array<i32>} : memref<65536xf32, #tpu.memory_space<vmem>>, vector<16xf32>,
      %add3A_167 = arith.constant 61440 : i32
      %add3A_168 = arith.addi %add3A_167, %mul3A_107 : i32
      %swap3A_169 = arith.index_cast %add3A_168 : i32 to index
      %swap3A_170 = tpu.vector_load %arg5[%swap3A_169] {strides = array<i32>} : memref<65536xf32, #tpu.memory_space<vmem>>, vector<16xf32>,
      tpu.vector_store %arg5[%swap3A_169], %broadcast_in_dim3A_1 {strides = array<i32>} : memref<65536xf32, #tpu.memory_space<vmem>>, vector<16xf32>,
    }
    %while3A_76 = arith.constant 1 : i32
    scf.for %while3A_104 = %while3A_74 to %while3A_70 step %while3A_76  : i32 {
      %add3A_105 = arith.addi %select_n3A, %while3A_104 : i32
      %mul3A_106 = arith.constant 16 : i32
      %mul3A_107 = arith.muli %add3A_105, %mul3A_106 : i32
      %add3A_108 = arith.constant 0 : i32
      %add3A_109 = arith.addi %add3A_108, %mul3A_107 : i32
      %swap3A = arith.index_cast %add3A_109 : i32 to index
      %swap3A_110 = tpu.vector_load %arg5[%swap3A] {strides = array<i32>} : memref<65536xf32, #tpu.memory_space<vmem>>, vector<16xf32>,
      tpu.vector_store %arg5[%swap3A], %broadcast_in_dim3A_1 {strides = array<i32>} : memref<65536xf32, #tpu.memory_space<vmem>>, vector<16xf32>,
      %add3A_111 = arith.constant 4096 : i32
      %add3A_112 = arith.addi %add3A_111, %mul3A_107 : i32
      %swap3A_113 = arith.index_cast %add3A_112 : i32 to index
      %swap3A_114 = tpu.vector_load %arg5[%swap3A_113] {strides = array<i32>} : memref<65536xf32, #tpu.memory_space<vmem>>, vector<16xf32>,
      tpu.vector_store %arg5[%swap3A_113], %broadcast_in_dim3A_1 {strides = array<i32>} : memref<65536xf32, #tpu.memory_space<vmem>>, vector<16xf32>,
      %add3A_115 = arith.constant 8192 : i32
      %add3A_116 = arith.addi %add3A_115, %mul3A_107 : i32
      %swap3A_117 = arith.index_cast %add3A_116 : i32 to index
      %swap3A_118 = tpu.vector_load %arg5[%swap3A_117] {strides = array<i32>} : memref<65536xf32, #tpu.memory_space<vmem>>, vector<16xf32>,
      tpu.vector_store %arg5[%swap3A_117], %broadcast_in_dim3A_1 {strides = array<i32>} : memref<65536xf32, #tpu.memory_space<vmem>>, vector<16xf32>,
      %add3A_119 = arith.constant 12288 : i32
      %add3A_120 = arith.addi %add3A_119, %mul3A_107 : i32
      %swap3A_121 = arith.index_cast %add3A_120 : i32 to index
      %swap3A_122 = tpu.vector_load %arg5[%swap3A_121] {strides = array<i32>} : memref<65536xf32, #tpu.memory_space<vmem>>, vector<16xf32>,
      tpu.vector_store %arg5[%swap3A_121], %broadcast_in_dim3A_1 {strides = array<i32>} : memref<65536xf32, #tpu.memory_space<vmem>>, vector<16xf32>,
      %add3A_123 = arith.constant 16384 : i32
      %add3A_124 = arith.addi %add3A_123, %mul3A_107 : i32
      %swap3A_125 = arith.index_cast %add3A_124 : i32 to index
      %swap3A_126 = tpu.vector_load %arg5[%swap3A_125] {strides = array<i32>} : memref<65536xf32, #tpu.memory_space<vmem>>, vector<16xf32>,
      tpu.vector_store %arg5[%swap3A_125], %broadcast_in_dim3A_1 {strides = array<i32>} : memref<65536xf32, #tpu.memory_space<vmem>>, vector<16xf32>,
      %add3A_127 = arith.constant 20480 : i32
      %add3A_128 = arith.addi %add3A_127, %mul3A_107 : i32
      %swap3A_129 = arith.index_cast %add3A_128 : i32 to index
      %swap3A_130 = tpu.vector_load %arg5[%swap3A_129] {strides = array<i32>} : memref<65536xf32, #tpu.memory_space<vmem>>, vector<16xf32>,
      tpu.vector_store %arg5[%swap3A_129], %broadcast_in_dim3A_1 {strides = array<i32>} : memref<65536xf32, #tpu.memory_space<vmem>>, vector<16xf32>,
      %add3A_131 = arith.constant 24576 : i32
      %add3A_132 = arith.addi %add3A_131, %mul3A_107 : i32
      %swap3A_133 = arith.index_cast %add3A_132 : i32 to index
      %swap3A_134 = tpu.vector_load %arg5[%swap3A_133] {strides = array<i32>} : memref<65536xf32, #tpu.memory_space<vmem>>, vector<16xf32>,
      tpu.vector_store %arg5[%swap3A_133], %broadcast_in_dim3A_1 {strides = array<i32>} : memref<65536xf32, #tpu.memory_space<vmem>>, vector<16xf32>,
      %add3A_135 = arith.constant 28672 : i32
      %add3A_136 = arith.addi %add3A_135, %mul3A_107 : i32
      %swap3A_137 = arith.index_cast %add3A_136 : i32 to index
      %swap3A_138 = tpu.vector_load %arg5[%swap3A_137] {strides = array<i32>} : memref<65536xf32, #tpu.memory_space<vmem>>, vector<16xf32>,
      tpu.vector_store %arg5[%swap3A_137], %broadcast_in_dim3A_1 {strides = array<i32>} : memref<65536xf32, #tpu.memory_space<vmem>>, vector<16xf32>,
      %add3A_139 = arith.constant 32768 : i32
      %add3A_140 = arith.addi %add3A_139, %mul3A_107 : i32
      %swap3A_141 = arith.index_cast %add3A_140 : i32 to index
      %swap3A_142 = tpu.vector_load %arg5[%swap3A_141] {strides = array<i32>} : memref<65536xf32, #tpu.memory_space<vmem>>, vector<16xf32>,
      tpu.vector_store %arg5[%swap3A_141], %broadcast_in_dim3A_1 {strides = array<i32>} : memref<65536xf32, #tpu.memory_space<vmem>>, vector<16xf32>,
      %add3A_143 = arith.constant 36864 : i32
      %add3A_144 = arith.addi %add3A_143, %mul3A_107 : i32
      %swap3A_145 = arith.index_cast %add3A_144 : i32 to index
      %swap3A_146 = tpu.vector_load %arg5[%swap3A_145] {strides = array<i32>} : memref<65536xf32, #tpu.memory_space<vmem>>, vector<16xf32>,
      tpu.vector_store %arg5[%swap3A_145], %broadcast_in_dim3A_1 {strides = array<i32>} : memref<65536xf32, #tpu.memory_space<vmem>>, vector<16xf32>,
      %add3A_147 = arith.constant 40960 : i32
      %add3A_148 = arith.addi %add3A_147, %mul3A_107 : i32
      %swap3A_149 = arith.index_cast %add3A_148 : i32 to index
      %swap3A_150 = tpu.vector_load %arg5[%swap3A_149] {strides = array<i32>} : memref<65536xf32, #tpu.memory_space<vmem>>, vector<16xf32>,
      tpu.vector_store %arg5[%swap3A_149], %broadcast_in_dim3A_1 {strides = array<i32>} : memref<65536xf32, #tpu.memory_space<vmem>>, vector<16xf32>,
      %add3A_151 = arith.constant 45056 : i32
      %add3A_152 = arith.addi %add3A_151, %mul3A_107 : i32
      %swap3A_153 = arith.index_cast %add3A_152 : i32 to index
      %swap3A_154 = tpu.vector_load %arg5[%swap3A_153] {strides = array<i32>} : memref<65536xf32, #tpu.memory_space<vmem>>, vector<16xf32>,
      tpu.vector_store %arg5[%swap3A_153], %broadcast_in_dim3A_1 {strides = array<i32>} : memref<65536xf32, #tpu.memory_space<vmem>>, vector<16xf32>,
      %add3A_155 = arith.constant 49152 : i32
      %add3A_156 = arith.addi %add3A_155, %mul3A_107 : i32
      %swap3A_157 = arith.index_cast %add3A_156 : i32 to index
      %swap3A_158 = tpu.vector_load %arg5[%swap3A_157] {strides = array<i32>} : memref<65536xf32, #tpu.memory_space<vmem>>, vector<16xf32>,
      tpu.vector_store %arg5[%swap3A_157], %broadcast_in_dim3A_1 {strides = array<i32>} : memref<65536xf32, #tpu.memory_space<vmem>>, vector<16xf32>,
      %add3A_159 = arith.constant 53248 : i32
      %add3A_160 = arith.addi %add3A_159, %mul3A_107 : i32
      %swap3A_161 = arith.index_cast %add3A_160 : i32 to index
      %swap3A_162 = tpu.vector_load %arg5[%swap3A_161] {strides = array<i32>} : memref<65536xf32, #tpu.memory_space<vmem>>, vector<16xf32>,
      tpu.vector_store %arg5[%swap3A_161], %broadcast_in_dim3A_1 {strides = array<i32>} : memref<65536xf32, #tpu.memory_space<vmem>>, vector<16xf32>,
      %add3A_163 = arith.constant 57344 : i32
      %add3A_164 = arith.addi %add3A_163, %mul3A_107 : i32
      %swap3A_165 = arith.index_cast %add3A_164 : i32 to index
      %swap3A_166 = tpu.vector_load %arg5[%swap3A_165] {strides = array<i32>} : memref<65536xf32, #tpu.memory_space<vmem>>, vector<16xf32>,
      tpu.vector_store %arg5[%swap3A_165], %broadcast_in_dim3A_1 {strides = array<i32>} : memref<65536xf32, #tpu.memory_space<vmem>>, vector<16xf32>,
      %add3A_167 = arith.constant 61440 : i32
      %add3A_168 = arith.addi %add3A_167, %mul3A_107 : i32
      %swap3A_169 = arith.index_cast %add3A_168 : i32 to index
      %swap3A_170 = tpu.vector_load %arg5[%swap3A_169] {strides = array<i32>} : memref<65536xf32, #tpu.memory_space<vmem>>, vector<16xf32>,
      tpu.vector_store %arg5[%swap3A_169], %broadcast_in_dim3A_1 {strides = array<i32>} : memref<65536xf32, #tpu.memory_space<vmem>>, vector<16xf32>,
    }
    %scan3A_77 = arith.constant 0 : i32
    %scan3A_78 = arith.constant 0 : i32
    %scan3A_79 = arith.constant 256 : i32
    %scan3A_80 = arith.addi %scan3A_78, %scan3A_79 : i32
    %scan3A_81 = arith.constant 1 : i32
    scf.for %scan3A_104 = %scan3A_78 to %scan3A_80 step %scan3A_81  : i32 {
      %mul3A_105 = arith.constant 16 : i32
      %mul3A_106 = arith.muli %scan3A_104, %mul3A_105 : i32
      %swap3A = arith.index_cast %mul3A_106 : i32 to index
      %swap3A_107 = tpu.vector_load %arg6[%swap3A] {strides = array<i32>} : memref<4096xf32, #tpu.memory_space<vmem>>, vector<16xf32>,
      tpu.vector_store %arg6[%swap3A], %broadcast_in_dim3A_1 {strides = array<i32>} : memref<4096xf32, #tpu.memory_space<vmem>>, vector<16xf32>,
    }
    %scan3A_82 = arith.constant 256 : i32
    %iota3A = tpu.iota {dimensions = array<i32: 0>} : vector<16xi32>
    %mul3A_83 = arith.constant 4096 : i32
    %mul3A_84 = vector.broadcast %mul3A_83 : i32 to vector<16xi32>
    %mul3A_85 = arith.muli %iota3A, %mul3A_84 : vector<16xi32>
    %broadcast_in_dim3A_86 = arith.constant 1.000000e+00 : f32
    %broadcast_in_dim3A_87 = vector.broadcast %broadcast_in_dim3A_86 : f32 to vector<16xf32>
    %scan3A_88 = arith.constant 0 : i32
    %scan3A_89 = arith.constant 0 : i32
    %scan3A_90 = arith.constant 64 : i32
    %scan3A_91 = arith.addi %scan3A_89, %scan3A_90 : i32
    %scan3A_92 = arith.constant 1 : i32
    scf.for %scan3A_104 = %scan3A_89 to %scan3A_91 step %scan3A_92  : i32 {
      %mul3A_105 = arith.constant 16 : i32
      %mul3A_106 = arith.muli %scan3A_104, %mul3A_105 : i32
      %get3A = arith.index_cast %mul3A_106 : i32 to index
      %get3A_107 = tpu.vector_load %arg4[%get3A] {strides = array<i32>} : memref<1024xi32, #tpu.memory_space<vmem>>, vector<16xi32>,
      %add3A_108 = arith.addi %mul3A_85, %get3A_107 : vector<16xi32>
      tpu.vector_store_idx %arg5[%add3A_108], %broadcast_in_dim3A_87 {add = true} : memref<65536xf32, #tpu.memory_space<vmem>>[vector<16xi32>], vector<16xf32>,
    }
    %scan3A_93 = arith.constant 64 : i32
    %while3A_94 = arith.constant 0 : i32
    %while3A_95 = arith.constant 0 : i32
    %while3A_96 = arith.subi %add3A_67, %while3A_95 : i32
    %while3A_97 = arith.addi %while3A_95, %while3A_96 : i32
    %while3A_98 = arith.constant 1 : i32
    %while3A_99 = arith.divsi %while3A_96, %while3A_98 : i32
    %while3A_100 = arith.muli %while3A_99, %while3A_98 : i32
    %while3A_101 = arith.addi %while3A_95, %while3A_100 : i32
    %while3A_102 = arith.constant 1 : i32
    scf.for %while3A_104 = %while3A_95 to %while3A_101 step %while3A_102  : i32 {
      %add3A_105 = arith.addi %select_n3A, %while3A_104 : i32
      %mul3A_106 = arith.constant 16 : i32
      %mul3A_107 = arith.muli %add3A_105, %mul3A_106 : i32
      %get3A = arith.index_cast %mul3A_107 : i32 to index
      %get3A_108 = tpu.vector_load %arg5[%get3A] {strides = array<i32>} : memref<65536xf32, #tpu.memory_space<vmem>>, vector<16xf32>,
      %add3A_109 = arith.constant 4096 : i32
      %add3A_110 = arith.addi %add3A_109, %mul3A_107 : i32
      %get3A_111 = arith.index_cast %add3A_110 : i32 to index
      %get3A_112 = tpu.vector_load %arg5[%get3A_111] {strides = array<i32>} : memref<65536xf32, #tpu.memory_space<vmem>>, vector<16xf32>,
      %add3A_113 = arith.addf %get3A_108, %get3A_112 : vector<16xf32>
      %add3A_114 = arith.constant 8192 : i32
      %add3A_115 = arith.addi %add3A_114, %mul3A_107 : i32
      %get3A_116 = arith.index_cast %add3A_115 : i32 to index
      %get3A_117 = tpu.vector_load %arg5[%get3A_116] {strides = array<i32>} : memref<65536xf32, #tpu.memory_space<vmem>>, vector<16xf32>,
      %add3A_118 = arith.addf %add3A_113, %get3A_117 : vector<16xf32>
      %add3A_119 = arith.constant 12288 : i32
      %add3A_120 = arith.addi %add3A_119, %mul3A_107 : i32
      %get3A_121 = arith.index_cast %add3A_120 : i32 to index
      %get3A_122 = tpu.vector_load %arg5[%get3A_121] {strides = array<i32>} : memref<65536xf32, #tpu.memory_space<vmem>>, vector<16xf32>,
      %add3A_123 = arith.addf %add3A_118, %get3A_122 : vector<16xf32>
      %add3A_124 = arith.constant 16384 : i32
      %add3A_125 = arith.addi %add3A_124, %mul3A_107 : i32
      %get3A_126 = arith.index_cast %add3A_125 : i32 to index
      %get3A_127 = tpu.vector_load %arg5[%get3A_126] {strides = array<i32>} : memref<65536xf32, #tpu.memory_space<vmem>>, vector<16xf32>,
      %add3A_128 = arith.addf %add3A_123, %get3A_127 : vector<16xf32>
      %add3A_129 = arith.constant 20480 : i32
      %add3A_130 = arith.addi %add3A_129, %mul3A_107 : i32
      %get3A_131 = arith.index_cast %add3A_130 : i32 to index
      %get3A_132 = tpu.vector_load %arg5[%get3A_131] {strides = array<i32>} : memref<65536xf32, #tpu.memory_space<vmem>>, vector<16xf32>,
      %add3A_133 = arith.addf %add3A_128, %get3A_132 : vector<16xf32>
      %add3A_134 = arith.constant 24576 : i32
      %add3A_135 = arith.addi %add3A_134, %mul3A_107 : i32
      %get3A_136 = arith.index_cast %add3A_135 : i32 to index
      %get3A_137 = tpu.vector_load %arg5[%get3A_136] {strides = array<i32>} : memref<65536xf32, #tpu.memory_space<vmem>>, vector<16xf32>,
      %add3A_138 = arith.addf %add3A_133, %get3A_137 : vector<16xf32>
      %add3A_139 = arith.constant 28672 : i32
      %add3A_140 = arith.addi %add3A_139, %mul3A_107 : i32
      %get3A_141 = arith.index_cast %add3A_140 : i32 to index
      %get3A_142 = tpu.vector_load %arg5[%get3A_141] {strides = array<i32>} : memref<65536xf32, #tpu.memory_space<vmem>>, vector<16xf32>,
      %add3A_143 = arith.addf %add3A_138, %get3A_142 : vector<16xf32>
      %add3A_144 = arith.constant 32768 : i32
      %add3A_145 = arith.addi %add3A_144, %mul3A_107 : i32
      %get3A_146 = arith.index_cast %add3A_145 : i32 to index
      %get3A_147 = tpu.vector_load %arg5[%get3A_146] {strides = array<i32>} : memref<65536xf32, #tpu.memory_space<vmem>>, vector<16xf32>,
      %add3A_148 = arith.addf %add3A_143, %get3A_147 : vector<16xf32>
      %add3A_149 = arith.constant 36864 : i32
      %add3A_150 = arith.addi %add3A_149, %mul3A_107 : i32
      %get3A_151 = arith.index_cast %add3A_150 : i32 to index
      %get3A_152 = tpu.vector_load %arg5[%get3A_151] {strides = array<i32>} : memref<65536xf32, #tpu.memory_space<vmem>>, vector<16xf32>,
      %add3A_153 = arith.addf %add3A_148, %get3A_152 : vector<16xf32>
      %add3A_154 = arith.constant 40960 : i32
      %add3A_155 = arith.addi %add3A_154, %mul3A_107 : i32
      %get3A_156 = arith.index_cast %add3A_155 : i32 to index
      %get3A_157 = tpu.vector_load %arg5[%get3A_156] {strides = array<i32>} : memref<65536xf32, #tpu.memory_space<vmem>>, vector<16xf32>,
      %add3A_158 = arith.addf %add3A_153, %get3A_157 : vector<16xf32>
      %add3A_159 = arith.constant 45056 : i32
      %add3A_160 = arith.addi %add3A_159, %mul3A_107 : i32
      %get3A_161 = arith.index_cast %add3A_160 : i32 to index
      %get3A_162 = tpu.vector_load %arg5[%get3A_161] {strides = array<i32>} : memref<65536xf32, #tpu.memory_space<vmem>>, vector<16xf32>,
      %add3A_163 = arith.addf %add3A_158, %get3A_162 : vector<16xf32>
      %add3A_164 = arith.constant 49152 : i32
      %add3A_165 = arith.addi %add3A_164, %mul3A_107 : i32
      %get3A_166 = arith.index_cast %add3A_165 : i32 to index
      %get3A_167 = tpu.vector_load %arg5[%get3A_166] {strides = array<i32>} : memref<65536xf32, #tpu.memory_space<vmem>>, vector<16xf32>,
      %add3A_168 = arith.addf %add3A_163, %get3A_167 : vector<16xf32>
      %add3A_169 = arith.constant 53248 : i32
      %add3A_170 = arith.addi %add3A_169, %mul3A_107 : i32
      %get3A_171 = arith.index_cast %add3A_170 : i32 to index
      %get3A_172 = tpu.vector_load %arg5[%get3A_171] {strides = array<i32>} : memref<65536xf32, #tpu.memory_space<vmem>>, vector<16xf32>,
      %add3A_173 = arith.addf %add3A_168, %get3A_172 : vector<16xf32>
      %add3A_174 = arith.constant 57344 : i32
      %add3A_175 = arith.addi %add3A_174, %mul3A_107 : i32
      %get3A_176 = arith.index_cast %add3A_175 : i32 to index
      %get3A_177 = tpu.vector_load %arg5[%get3A_176] {strides = array<i32>} : memref<65536xf32, #tpu.memory_space<vmem>>, vector<16xf32>,
      %add3A_178 = arith.addf %add3A_173, %get3A_177 : vector<16xf32>
      %add3A_179 = arith.constant 61440 : i32
      %add3A_180 = arith.addi %add3A_179, %mul3A_107 : i32
      %get3A_181 = arith.index_cast %add3A_180 : i32 to index
      %get3A_182 = tpu.vector_load %arg5[%get3A_181] {strides = array<i32>} : memref<65536xf32, #tpu.memory_space<vmem>>, vector<16xf32>,
      %add3A_183 = arith.addf %add3A_178, %get3A_182 : vector<16xf32>
      %swap3A = arith.index_cast %mul3A_107 : i32 to index
      %swap3A_184 = tpu.vector_load %arg6[%swap3A] {strides = array<i32>} : memref<4096xf32, #tpu.memory_space<vmem>>, vector<16xf32>,
      tpu.vector_store %arg6[%swap3A], %add3A_183 {strides = array<i32>} : memref<4096xf32, #tpu.memory_space<vmem>>, vector<16xf32>,
    }
    %while3A_103 = arith.constant 1 : i32
    scf.for %while3A_104 = %while3A_101 to %while3A_97 step %while3A_103  : i32 {
      %add3A_105 = arith.addi %select_n3A, %while3A_104 : i32
      %mul3A_106 = arith.constant 16 : i32
      %mul3A_107 = arith.muli %add3A_105, %mul3A_106 : i32
      %get3A = arith.index_cast %mul3A_107 : i32 to index
      %get3A_108 = tpu.vector_load %arg5[%get3A] {strides = array<i32>} : memref<65536xf32, #tpu.memory_space<vmem>>, vector<16xf32>,
      %add3A_109 = arith.constant 4096 : i32
      %add3A_110 = arith.addi %add3A_109, %mul3A_107 : i32
      %get3A_111 = arith.index_cast %add3A_110 : i32 to index
      %get3A_112 = tpu.vector_load %arg5[%get3A_111] {strides = array<i32>} : memref<65536xf32, #tpu.memory_space<vmem>>, vector<16xf32>,
      %add3A_113 = arith.addf %get3A_108, %get3A_112 : vector<16xf32>
      %add3A_114 = arith.constant 8192 : i32
      %add3A_115 = arith.addi %add3A_114, %mul3A_107 : i32
      %get3A_116 = arith.index_cast %add3A_115 : i32 to index
      %get3A_117 = tpu.vector_load %arg5[%get3A_116] {strides = array<i32>} : memref<65536xf32, #tpu.memory_space<vmem>>, vector<16xf32>,
      %add3A_118 = arith.addf %add3A_113, %get3A_117 : vector<16xf32>
      %add3A_119 = arith.constant 12288 : i32
      %add3A_120 = arith.addi %add3A_119, %mul3A_107 : i32
      %get3A_121 = arith.index_cast %add3A_120 : i32 to index
      %get3A_122 = tpu.vector_load %arg5[%get3A_121] {strides = array<i32>} : memref<65536xf32, #tpu.memory_space<vmem>>, vector<16xf32>,
      %add3A_123 = arith.addf %add3A_118, %get3A_122 : vector<16xf32>
      %add3A_124 = arith.constant 16384 : i32
      %add3A_125 = arith.addi %add3A_124, %mul3A_107 : i32
      %get3A_126 = arith.index_cast %add3A_125 : i32 to index
      %get3A_127 = tpu.vector_load %arg5[%get3A_126] {strides = array<i32>} : memref<65536xf32, #tpu.memory_space<vmem>>, vector<16xf32>,
      %add3A_128 = arith.addf %add3A_123, %get3A_127 : vector<16xf32>
      %add3A_129 = arith.constant 20480 : i32
      %add3A_130 = arith.addi %add3A_129, %mul3A_107 : i32
      %get3A_131 = arith.index_cast %add3A_130 : i32 to index
      %get3A_132 = tpu.vector_load %arg5[%get3A_131] {strides = array<i32>} : memref<65536xf32, #tpu.memory_space<vmem>>, vector<16xf32>,
      %add3A_133 = arith.addf %add3A_128, %get3A_132 : vector<16xf32>
      %add3A_134 = arith.constant 24576 : i32
      %add3A_135 = arith.addi %add3A_134, %mul3A_107 : i32
      %get3A_136 = arith.index_cast %add3A_135 : i32 to index
      %get3A_137 = tpu.vector_load %arg5[%get3A_136] {strides = array<i32>} : memref<65536xf32, #tpu.memory_space<vmem>>, vector<16xf32>,
      %add3A_138 = arith.addf %add3A_133, %get3A_137 : vector<16xf32>
      %add3A_139 = arith.constant 28672 : i32
      %add3A_140 = arith.addi %add3A_139, %mul3A_107 : i32
      %get3A_141 = arith.index_cast %add3A_140 : i32 to index
      %get3A_142 = tpu.vector_load %arg5[%get3A_141] {strides = array<i32>} : memref<65536xf32, #tpu.memory_space<vmem>>, vector<16xf32>,
      %add3A_143 = arith.addf %add3A_138, %get3A_142 : vector<16xf32>
      %add3A_144 = arith.constant 32768 : i32
      %add3A_145 = arith.addi %add3A_144, %mul3A_107 : i32
      %get3A_146 = arith.index_cast %add3A_145 : i32 to index
      %get3A_147 = tpu.vector_load %arg5[%get3A_146] {strides = array<i32>} : memref<65536xf32, #tpu.memory_space<vmem>>, vector<16xf32>,
      %add3A_148 = arith.addf %add3A_143, %get3A_147 : vector<16xf32>
      %add3A_149 = arith.constant 36864 : i32
      %add3A_150 = arith.addi %add3A_149, %mul3A_107 : i32
      %get3A_151 = arith.index_cast %add3A_150 : i32 to index
      %get3A_152 = tpu.vector_load %arg5[%get3A_151] {strides = array<i32>} : memref<65536xf32, #tpu.memory_space<vmem>>, vector<16xf32>,
      %add3A_153 = arith.addf %add3A_148, %get3A_152 : vector<16xf32>
      %add3A_154 = arith.constant 40960 : i32
      %add3A_155 = arith.addi %add3A_154, %mul3A_107 : i32
      %get3A_156 = arith.index_cast %add3A_155 : i32 to index
      %get3A_157 = tpu.vector_load %arg5[%get3A_156] {strides = array<i32>} : memref<65536xf32, #tpu.memory_space<vmem>>, vector<16xf32>,
      %add3A_158 = arith.addf %add3A_153, %get3A_157 : vector<16xf32>
      %add3A_159 = arith.constant 45056 : i32
      %add3A_160 = arith.addi %add3A_159, %mul3A_107 : i32
      %get3A_161 = arith.index_cast %add3A_160 : i32 to index
      %get3A_162 = tpu.vector_load %arg5[%get3A_161] {strides = array<i32>} : memref<65536xf32, #tpu.memory_space<vmem>>, vector<16xf32>,
      %add3A_163 = arith.addf %add3A_158, %get3A_162 : vector<16xf32>
      %add3A_164 = arith.constant 49152 : i32
      %add3A_165 = arith.addi %add3A_164, %mul3A_107 : i32
      %get3A_166 = arith.index_cast %add3A_165 : i32 to index
      %get3A_167 = tpu.vector_load %arg5[%get3A_166] {strides = array<i32>} : memref<65536xf32, #tpu.memory_space<vmem>>, vector<16xf32>,
      %add3A_168 = arith.addf %add3A_163, %get3A_167 : vector<16xf32>
      %add3A_169 = arith.constant 53248 : i32
      %add3A_170 = arith.addi %add3A_169, %mul3A_107 : i32
      %get3A_171 = arith.index_cast %add3A_170 : i32 to index
      %get3A_172 = tpu.vector_load %arg5[%get3A_171] {strides = array<i32>} : memref<65536xf32, #tpu.memory_space<vmem>>, vector<16xf32>,
      %add3A_173 = arith.addf %add3A_168, %get3A_172 : vector<16xf32>
      %add3A_174 = arith.constant 57344 : i32
      %add3A_175 = arith.addi %add3A_174, %mul3A_107 : i32
      %get3A_176 = arith.index_cast %add3A_175 : i32 to index
      %get3A_177 = tpu.vector_load %arg5[%get3A_176] {strides = array<i32>} : memref<65536xf32, #tpu.memory_space<vmem>>, vector<16xf32>,
      %add3A_178 = arith.addf %add3A_173, %get3A_177 : vector<16xf32>
      %add3A_179 = arith.constant 61440 : i32
      %add3A_180 = arith.addi %add3A_179, %mul3A_107 : i32
      %get3A_181 = arith.index_cast %add3A_180 : i32 to index
      %get3A_182 = tpu.vector_load %arg5[%get3A_181] {strides = array<i32>} : memref<65536xf32, #tpu.memory_space<vmem>>, vector<16xf32>,
      %add3A_183 = arith.addf %add3A_178, %get3A_182 : vector<16xf32>
      %swap3A = arith.index_cast %mul3A_107 : i32 to index
      %swap3A_184 = tpu.vector_load %arg6[%swap3A] {strides = array<i32>} : memref<4096xf32, #tpu.memory_space<vmem>>, vector<16xf32>,
      tpu.vector_store %arg6[%swap3A], %add3A_183 {strides = array<i32>} : memref<4096xf32, #tpu.memory_space<vmem>>, vector<16xf32>,
    }
    "tpu.region"() ({
      %run_scoped3A = tpu.sem_alloc : memref<!tpu.dma_semaphore, #tpu.memory_space<semaphore_mem>>
      %dma_start3A = arith.constant 0 : i32
      %dma_start3A_104 = tpu.memref_slice %arg3[%add3A, %dma_start3A] : memref<32x4096xf32, #tpu.memory_space<hbm>> -> memref<1x4096xf32, #tpu.memory_space<hbm>>
      %dma_start3A_105 = tpu.memref_squeeze %dma_start3A_104 : memref<1x4096xf32, #tpu.memory_space<hbm>> -> memref<4096xf32, #tpu.memory_space<hbm>>
      %dma_start3A_106 = arith.constant 0 : i32
      %dma_start3A_107 = tpu.memref_slice %arg3[%add3A, %dma_start3A_106] : memref<32x4096xf32, #tpu.memory_space<hbm>> -> memref<1x4096xf32, #tpu.memory_space<hbm>>
      %dma_start3A_108 = tpu.memref_squeeze %dma_start3A_107 : memref<1x4096xf32, #tpu.memory_space<hbm>> -> memref<4096xf32, #tpu.memory_space<hbm>>
      tpu.enqueue_dma source(%arg6 : memref<4096xf32, #tpu.memory_space<vmem>>) target(%dma_start3A_108 : memref<4096xf32, #tpu.memory_space<hbm>>) target_semaphore(%run_scoped3A : memref<!tpu.dma_semaphore, #tpu.memory_space<semaphore_mem>>)
      %dma_wait3A = arith.constant 0 : i32
      %dma_wait3A_109 = tpu.memref_slice %arg3[%add3A, %dma_wait3A] : memref<32x4096xf32, #tpu.memory_space<hbm>> -> memref<1x4096xf32, #tpu.memory_space<hbm>>
      %dma_wait3A_110 = tpu.memref_squeeze %dma_wait3A_109 : memref<1x4096xf32, #tpu.memory_space<hbm>> -> memref<4096xf32, #tpu.memory_space<hbm>>
      %dma_wait3A_111 = arith.constant 0 : i32
      %dma_wait3A_112 = tpu.memref_slice %arg3[%add3A, %dma_wait3A_111] : memref<32x4096xf32, #tpu.memory_space<hbm>> -> memref<1x4096xf32, #tpu.memory_space<hbm>>
      %dma_wait3A_113 = tpu.memref_squeeze %dma_wait3A_112 : memref<1x4096xf32, #tpu.memory_space<hbm>> -> memref<4096xf32, #tpu.memory_space<hbm>>
      tpu.wait_dma2 semaphore(%run_scoped3A : memref<!tpu.dma_semaphore, #tpu.memory_space<semaphore_mem>>) src(%arg6 : memref<4096xf32, #tpu.memory_space<vmem>>) dst(%dma_wait3A_113 : memref<4096xf32, #tpu.memory_space<hbm>>)
      tpu.yield
    }) : () -> ()
    return
  }
}

module attributes {stable_mosaic.version = 14 : i64} {
  func.func @_index_kernel(%arg0: memref<3x32x1024xf32, #tpu.memory_space<vmem>>, %arg1: memref<3x1024xf32, #tpu.memory_space<vmem>>, %arg2: memref<3x3xf32, #tpu.memory_space<vmem>>, %arg3: memref<3x1xf32, #tpu.memory_space<vmem>>, %arg4: memref<3x3xf32, #tpu.memory_space<vmem>>, %arg5: memref<32x1024xi32, #tpu.memory_space<vmem>>, %arg6: memref<2xi32, #tpu.memory_space<smem>>) attributes {dimension_semantics = [], scalar_prefetch = 0 : i64, scratch_operands = 0 : i64, tpu.core_type = #tpu.core_type<tc>} {
    %get3A = arith.constant 0 : index
    %get3A_0 = arith.constant 0 : index
    %get3A_1 = vector.load %arg4[%get3A, %get3A_0] : memref<3x3xf32, #tpu.memory_space<vmem>>, vector<3x3xf32>
    %get3A_2 = arith.constant 0 : index
    %get3A_3 = arith.constant 0 : index
    %get3A_4 = vector.load %arg3[%get3A_2, %get3A_3] : memref<3x1xf32, #tpu.memory_space<vmem>>, vector<3x1xf32>
    %concatenate3A = tpu.concatenate %get3A_1, %get3A_4 in 1 : vector<3x3xf32>, vector<3x1xf32> -> vector<3x4xf32>
    %get3A_5 = arith.constant 0 : index
    %get3A_6 = arith.constant 0 : index
    %get3A_7 = vector.load %arg2[%get3A_5, %get3A_6] : memref<3x3xf32, #tpu.memory_space<vmem>>, vector<3x3xf32>
    %slice3A = vector.extract_strided_slice %get3A_7 {offsets = [0, 0], sizes = [3, 1], strides = [1, 1]} : vector<3x3xf32> to vector<3x1xf32>
    %slice3A_8 = vector.extract_strided_slice %concatenate3A {offsets = [0, 0], sizes = [1, 4], strides = [1, 1]} : vector<3x4xf32> to vector<1x4xf32>
    %mul3A = vector.broadcast %slice3A : vector<3x1xf32> to vector<3x4xf32>
    %mul3A_9 = vector.broadcast %slice3A_8 : vector<1x4xf32> to vector<3x4xf32>
    %mul3A_10 = arith.mulf %mul3A, %mul3A_9 : vector<3x4xf32>
    %slice3A_11 = vector.extract_strided_slice %get3A_7 {offsets = [0, 1], sizes = [3, 1], strides = [1, 1]} : vector<3x3xf32> to vector<3x1xf32>
    %slice3A_12 = vector.extract_strided_slice %concatenate3A {offsets = [1, 0], sizes = [1, 4], strides = [1, 1]} : vector<3x4xf32> to vector<1x4xf32>
    %mul3A_13 = vector.broadcast %slice3A_11 : vector<3x1xf32> to vector<3x4xf32>
    %mul3A_14 = vector.broadcast %slice3A_12 : vector<1x4xf32> to vector<3x4xf32>
    %mul3A_15 = arith.mulf %mul3A_13, %mul3A_14 : vector<3x4xf32>
    %add3A = arith.addf %mul3A_10, %mul3A_15 : vector<3x4xf32>
    %slice3A_16 = vector.extract_strided_slice %get3A_7 {offsets = [0, 2], sizes = [3, 1], strides = [1, 1]} : vector<3x3xf32> to vector<3x1xf32>
    %slice3A_17 = vector.extract_strided_slice %concatenate3A {offsets = [2, 0], sizes = [1, 4], strides = [1, 1]} : vector<3x4xf32> to vector<1x4xf32>
    %mul3A_18 = vector.broadcast %slice3A_16 : vector<3x1xf32> to vector<3x4xf32>
    %mul3A_19 = vector.broadcast %slice3A_17 : vector<1x4xf32> to vector<3x4xf32>
    %mul3A_20 = arith.mulf %mul3A_18, %mul3A_19 : vector<3x4xf32>
    %add3A_21 = arith.addf %add3A, %mul3A_20 : vector<3x4xf32>
    %get3A_22 = arith.constant 0 : index
    %get3A_23 = arith.constant 0 : index
    %get3A_24 = arith.constant 0 : index
    %get3A_25 = vector.load %arg0[%get3A_22, %get3A_23, %get3A_24] : memref<3x32x1024xf32, #tpu.memory_space<vmem>>, vector<1x32x1024xf32>
    %get3A_26 = vector.shape_cast %get3A_25 : vector<1x32x1024xf32> to vector<32x1024xf32>
    %get3A_27 = arith.constant 1 : index
    %get3A_28 = arith.constant 0 : index
    %get3A_29 = arith.constant 0 : index
    %get3A_30 = vector.load %arg0[%get3A_27, %get3A_28, %get3A_29] : memref<3x32x1024xf32, #tpu.memory_space<vmem>>, vector<1x32x1024xf32>
    %get3A_31 = vector.shape_cast %get3A_30 : vector<1x32x1024xf32> to vector<32x1024xf32>
    %get3A_32 = arith.constant 2 : index
    %get3A_33 = arith.constant 0 : index
    %get3A_34 = arith.constant 0 : index
    %get3A_35 = vector.load %arg0[%get3A_32, %get3A_33, %get3A_34] : memref<3x32x1024xf32, #tpu.memory_space<vmem>>, vector<1x32x1024xf32>
    %get3A_36 = vector.shape_cast %get3A_35 : vector<1x32x1024xf32> to vector<32x1024xf32>
    %slice3A_37 = vector.extract_strided_slice %add3A_21 {offsets = [0, 0], sizes = [1, 1], strides = [1, 1]} : vector<3x4xf32> to vector<1x1xf32>
    %mul3A_38 = vector.broadcast %slice3A_37 : vector<1x1xf32> to vector<32x1024xf32>
    %mul3A_39 = arith.mulf %mul3A_38, %get3A_26 : vector<32x1024xf32>
    %slice3A_40 = vector.extract_strided_slice %add3A_21 {offsets = [0, 1], sizes = [1, 1], strides = [1, 1]} : vector<3x4xf32> to vector<1x1xf32>
    %mul3A_41 = vector.broadcast %slice3A_40 : vector<1x1xf32> to vector<32x1024xf32>
    %mul3A_42 = arith.mulf %mul3A_41, %get3A_31 : vector<32x1024xf32>
    %add3A_43 = arith.addf %mul3A_39, %mul3A_42 : vector<32x1024xf32>
    %slice3A_44 = vector.extract_strided_slice %add3A_21 {offsets = [0, 2], sizes = [1, 1], strides = [1, 1]} : vector<3x4xf32> to vector<1x1xf32>
    %mul3A_45 = vector.broadcast %slice3A_44 : vector<1x1xf32> to vector<32x1024xf32>
    %mul3A_46 = arith.mulf %mul3A_45, %get3A_36 : vector<32x1024xf32>
    %add3A_47 = arith.addf %add3A_43, %mul3A_46 : vector<32x1024xf32>
    %slice3A_48 = vector.extract_strided_slice %add3A_21 {offsets = [0, 3], sizes = [1, 1], strides = [1, 1]} : vector<3x4xf32> to vector<1x1xf32>
    %add3A_49 = vector.broadcast %slice3A_48 : vector<1x1xf32> to vector<32x1024xf32>
    %add3A_50 = arith.addf %add3A_47, %add3A_49 : vector<32x1024xf32>
    %slice3A_51 = vector.extract_strided_slice %add3A_21 {offsets = [1, 0], sizes = [1, 1], strides = [1, 1]} : vector<3x4xf32> to vector<1x1xf32>
    %mul3A_52 = vector.broadcast %slice3A_51 : vector<1x1xf32> to vector<32x1024xf32>
    %mul3A_53 = arith.mulf %mul3A_52, %get3A_26 : vector<32x1024xf32>
    %slice3A_54 = vector.extract_strided_slice %add3A_21 {offsets = [1, 1], sizes = [1, 1], strides = [1, 1]} : vector<3x4xf32> to vector<1x1xf32>
    %mul3A_55 = vector.broadcast %slice3A_54 : vector<1x1xf32> to vector<32x1024xf32>
    %mul3A_56 = arith.mulf %mul3A_55, %get3A_31 : vector<32x1024xf32>
    %add3A_57 = arith.addf %mul3A_53, %mul3A_56 : vector<32x1024xf32>
    %slice3A_58 = vector.extract_strided_slice %add3A_21 {offsets = [1, 2], sizes = [1, 1], strides = [1, 1]} : vector<3x4xf32> to vector<1x1xf32>
    %mul3A_59 = vector.broadcast %slice3A_58 : vector<1x1xf32> to vector<32x1024xf32>
    %mul3A_60 = arith.mulf %mul3A_59, %get3A_36 : vector<32x1024xf32>
    %add3A_61 = arith.addf %add3A_57, %mul3A_60 : vector<32x1024xf32>
    %slice3A_62 = vector.extract_strided_slice %add3A_21 {offsets = [1, 3], sizes = [1, 1], strides = [1, 1]} : vector<3x4xf32> to vector<1x1xf32>
    %add3A_63 = vector.broadcast %slice3A_62 : vector<1x1xf32> to vector<32x1024xf32>
    %add3A_64 = arith.addf %add3A_61, %add3A_63 : vector<32x1024xf32>
    %slice3A_65 = vector.extract_strided_slice %add3A_21 {offsets = [2, 0], sizes = [1, 1], strides = [1, 1]} : vector<3x4xf32> to vector<1x1xf32>
    %mul3A_66 = vector.broadcast %slice3A_65 : vector<1x1xf32> to vector<32x1024xf32>
    %mul3A_67 = arith.mulf %mul3A_66, %get3A_26 : vector<32x1024xf32>
    %slice3A_68 = vector.extract_strided_slice %add3A_21 {offsets = [2, 1], sizes = [1, 1], strides = [1, 1]} : vector<3x4xf32> to vector<1x1xf32>
    %mul3A_69 = vector.broadcast %slice3A_68 : vector<1x1xf32> to vector<32x1024xf32>
    %mul3A_70 = arith.mulf %mul3A_69, %get3A_31 : vector<32x1024xf32>
    %add3A_71 = arith.addf %mul3A_67, %mul3A_70 : vector<32x1024xf32>
    %slice3A_72 = vector.extract_strided_slice %add3A_21 {offsets = [2, 2], sizes = [1, 1], strides = [1, 1]} : vector<3x4xf32> to vector<1x1xf32>
    %mul3A_73 = vector.broadcast %slice3A_72 : vector<1x1xf32> to vector<32x1024xf32>
    %mul3A_74 = arith.mulf %mul3A_73, %get3A_36 : vector<32x1024xf32>
    %add3A_75 = arith.addf %add3A_71, %mul3A_74 : vector<32x1024xf32>
    %slice3A_76 = vector.extract_strided_slice %add3A_21 {offsets = [2, 3], sizes = [1, 1], strides = [1, 1]} : vector<3x4xf32> to vector<1x1xf32>
    %add3A_77 = vector.broadcast %slice3A_76 : vector<1x1xf32> to vector<32x1024xf32>
    %add3A_78 = arith.addf %add3A_75, %add3A_77 : vector<32x1024xf32>
    %div3A = arith.divf %add3A_50, %add3A_78 : vector<32x1024xf32>
    %round3A = math.roundeven %div3A : vector<32x1024xf32>
    %div3A_79 = arith.divf %add3A_64, %add3A_78 : vector<32x1024xf32>
    %round3A_80 = math.roundeven %div3A_79 : vector<32x1024xf32>
    %div3A_81 = arith.divf %add3A_78, %add3A_78 : vector<32x1024xf32>
    %round3A_82 = math.roundeven %div3A_81 : vector<32x1024xf32>
    %get3A_83 = arith.constant 0 : index
    %get3A_84 = arith.constant 0 : index
    %get3A_85 = vector.load %arg1[%get3A_83, %get3A_84] : memref<3x1024xf32, #tpu.memory_space<vmem>>, vector<1x1024xf32>
    %mul3A_86 = vector.broadcast %get3A_85 : vector<1x1024xf32> to vector<32x1024xf32>
    %mul3A_87 = arith.mulf %mul3A_86, %round3A : vector<32x1024xf32>
    %get3A_88 = arith.constant 1 : index
    %get3A_89 = arith.constant 0 : index
    %get3A_90 = vector.load %arg1[%get3A_88, %get3A_89] : memref<3x1024xf32, #tpu.memory_space<vmem>>, vector<1x1024xf32>
    %mul3A_91 = vector.broadcast %get3A_90 : vector<1x1024xf32> to vector<32x1024xf32>
    %mul3A_92 = arith.mulf %mul3A_91, %round3A_80 : vector<32x1024xf32>
    %add3A_93 = arith.addf %mul3A_87, %mul3A_92 : vector<32x1024xf32>
    %get3A_94 = arith.constant 2 : index
    %get3A_95 = arith.constant 0 : index
    %get3A_96 = vector.load %arg1[%get3A_94, %get3A_95] : memref<3x1024xf32, #tpu.memory_space<vmem>>, vector<1x1024xf32>
    %mul3A_97 = vector.broadcast %get3A_96 : vector<1x1024xf32> to vector<32x1024xf32>
    %mul3A_98 = arith.mulf %mul3A_97, %round3A_82 : vector<32x1024xf32>
    %add3A_99 = arith.addf %add3A_93, %mul3A_98 : vector<32x1024xf32>
    %convert_element_type3A = arith.fptosi %add3A_99 : vector<32x1024xf32> to vector<32x1024xi32>
    %jit3A = arith.constant 0 : i32
    %jit3A_100 = arith.constant 4095 : i32
    %max3A = vector.broadcast %jit3A : i32 to vector<32x1024xi32>
    %max3A_101 = arith.maxsi %max3A, %convert_element_type3A : vector<32x1024xi32>
    %min3A = vector.broadcast %jit3A_100 : i32 to vector<32x1024xi32>
    %min3A_102 = arith.minsi %min3A, %max3A_101 : vector<32x1024xi32>
    %swap3A = arith.constant 0 : index
    %swap3A_103 = arith.constant 0 : index
    %swap3A_104 = vector.load %arg5[%swap3A, %swap3A_103] : memref<32x1024xi32, #tpu.memory_space<vmem>>, vector<32x1024xi32>
    tpu.vector_store %arg5[%swap3A, %swap3A_103], %min3A_102 {strides = array<i32>} : memref<32x1024xi32, #tpu.memory_space<vmem>>, vector<32x1024xi32>,
    %reduce_min3A = vector.shape_cast %min3A_102 : vector<32x1024xi32> to vector<1x32x1024xi32>
    %reduce_min3A_105 = arith.constant dense<2147483647> : vector<1xi32>
    %reduce_min3A_106 = vector.multi_reduction <minsi>, %reduce_min3A, %reduce_min3A_105 [1, 2] : vector<1x32x1024xi32> to vector<1xi32>
    %reduce_min3A_107 = vector.shape_cast %reduce_min3A_106 : vector<1xi32> to vector<1x1x1xi32>
    %reduce_min3A_108 = vector.extract %reduce_min3A_107[0, 0, 0] : i32 from vector<1x1x1xi32>
    %swap3A_109 = arith.constant 0 : index
    %swap3A_110 = memref.load %arg6[%swap3A_109] : memref<2xi32, #tpu.memory_space<smem>>
    memref.store %reduce_min3A_108, %arg6[%swap3A_109] : memref<2xi32, #tpu.memory_space<smem>>
    %reduce_max3A = vector.shape_cast %min3A_102 : vector<32x1024xi32> to vector<1x32x1024xi32>
    %reduce_max3A_111 = arith.constant dense<-2147483648> : vector<1xi32>
    %reduce_max3A_112 = vector.multi_reduction <maxsi>, %reduce_max3A, %reduce_max3A_111 [1, 2] : vector<1x32x1024xi32> to vector<1xi32>
    %reduce_max3A_113 = vector.shape_cast %reduce_max3A_112 : vector<1xi32> to vector<1x1x1xi32>
    %reduce_max3A_114 = vector.extract %reduce_max3A_113[0, 0, 0] : i32 from vector<1x1x1xi32>
    %swap3A_115 = arith.constant 1 : index
    %swap3A_116 = memref.load %arg6[%swap3A_115] : memref<2xi32, #tpu.memory_space<smem>>
    memref.store %reduce_max3A_114, %arg6[%swap3A_115] : memref<2xi32, #tpu.memory_space<smem>>
    return
  }
}

module attributes {stable_mosaic.version = 14 : i64} {
  func.func @_loss_kernel(%arg0: i32, %arg1: memref<2x16x512xf32, #tpu.memory_space<vmem>>, %arg2: memref<512x4096xf32, #tpu.memory_space<vmem>>, %arg3: memref<1x1xf32, #tpu.memory_space<vmem>>, %arg4: memref<16x4096xf32, #tpu.memory_space<vmem>>) attributes {dimension_semantics = [#tpu.dimension_semantics<arbitrary>], iteration_bounds = array<i64: 8>, scalar_prefetch = 0 : i64, scratch_operands = 1 : i64, tpu.core_type = #tpu.core_type<tc>, window_params = [{transform_indices = @transform_0, window_bounds = array<i64: 2, 16, 512>}, {transform_indices = @transform_1, window_bounds = array<i64: 512, 4096>}, {pipeline_mode = #tpu.pipeline_mode<synchronous>, transform_indices = @transform_2, window_bounds = array<i64: 1, 1>}]} {
    %eq3A = arith.constant 0 : i32
    %eq3A_0 = arith.cmpi eq, %arg0, %eq3A : i32
    %convert_element_type3A = arith.extui %eq3A_0 : i1 to i32
    %cond3A = arith.constant 0 : i32
    %cond3A_1 = arith.cmpi ne, %convert_element_type3A, %cond3A : i32
    scf.if %cond3A_1 {
      %broadcast_in_dim3A = arith.constant 0.000000e+00 : f32
      %broadcast_in_dim3A_25 = vector.broadcast %broadcast_in_dim3A : f32 to vector<16x4096xf32>
      %swap3A_26 = arith.constant 0 : index
      %swap3A_27 = arith.constant 0 : index
      %swap3A_28 = vector.load %arg4[%swap3A_26, %swap3A_27] : memref<16x4096xf32, #tpu.memory_space<vmem>>, vector<16x4096xf32>
      tpu.vector_store %arg4[%swap3A_26, %swap3A_27], %broadcast_in_dim3A_25 {strides = array<i32>} : memref<16x4096xf32, #tpu.memory_space<vmem>>, vector<16x4096xf32>,
    } else {
    }
    %get3A = arith.constant 0 : index
    %get3A_2 = arith.constant 0 : index
    %get3A_3 = arith.constant 0 : index
    %get3A_4 = vector.load %arg1[%get3A, %get3A_2, %get3A_3] : memref<2x16x512xf32, #tpu.memory_space<vmem>>, vector<1x16x512xf32>
    %get3A_5 = vector.shape_cast %get3A_4 : vector<1x16x512xf32> to vector<16x512xf32>
    %get3A_6 = arith.constant 1 : index
    %get3A_7 = arith.constant 0 : index
    %get3A_8 = arith.constant 0 : index
    %get3A_9 = vector.load %arg1[%get3A_6, %get3A_7, %get3A_8] : memref<2x16x512xf32, #tpu.memory_space<vmem>>, vector<1x16x512xf32>
    %get3A_10 = vector.shape_cast %get3A_9 : vector<1x16x512xf32> to vector<16x512xf32>
    %sub3A = arith.subf %get3A_5, %get3A_10 : vector<16x512xf32>
    %get3A_11 = arith.constant 0 : index
    %get3A_12 = arith.constant 0 : index
    %get3A_13 = vector.load %arg2[%get3A_11, %get3A_12] : memref<512x4096xf32, #tpu.memory_space<vmem>>, vector<512x4096xf32>
    %get3A_14 = arith.constant 0 : index
    %get3A_15 = arith.constant 0 : index
    %get3A_16 = vector.load %arg4[%get3A_14, %get3A_15] : memref<16x4096xf32, #tpu.memory_space<vmem>>, vector<16x4096xf32>
    %dot_general3A = arith.constant dense<0.000000e+00> : vector<16x4096xf32>
    %dot_general3A_17 = tpu.matmul %sub3A, %get3A_13, %dot_general3A {dimension_numbers = #tpu.dot_dimension_numbers<[1], [0], [0], [1], [0, 0, 1, 1], [], []>, transpose_lhs_hint = false} : vector<16x512xf32>, vector<512x4096xf32>, vector<16x4096xf32> -> vector<16x4096xf32>
    %add3A = arith.addf %get3A_16, %dot_general3A_17 : vector<16x4096xf32>
    %swap3A = arith.constant 0 : index
    %swap3A_18 = arith.constant 0 : index
    %swap3A_19 = vector.load %arg4[%swap3A, %swap3A_18] : memref<16x4096xf32, #tpu.memory_space<vmem>>, vector<16x4096xf32>
    tpu.vector_store %arg4[%swap3A, %swap3A_18], %add3A {strides = array<i32>} : memref<16x4096xf32, #tpu.memory_space<vmem>>, vector<16x4096xf32>,
    %eq3A_20 = arith.constant 7 : i32
    %eq3A_21 = arith.cmpi eq, %arg0, %eq3A_20 : i32
    %convert_element_type3A_22 = arith.extui %eq3A_21 : i1 to i32
    %cond3A_23 = arith.constant 0 : i32
    %cond3A_24 = arith.cmpi ne, %convert_element_type3A_22, %cond3A_23 : i32
    scf.if %cond3A_24 {
      %get3A_25 = arith.constant 0 : index
      %get3A_26 = arith.constant 0 : index
      %get3A_27 = vector.load %arg4[%get3A_25, %get3A_26] : memref<16x4096xf32, #tpu.memory_space<vmem>>, vector<16x4096xf32>
      %abs3A = math.absf %get3A_27 : vector<16x4096xf32>
      %reduce_sum3A = vector.shape_cast %abs3A : vector<16x4096xf32> to vector<1x16x4096xf32>
      %reduce_sum3A_28 = arith.constant dense<0.000000e+00> : vector<1xf32>
      %reduce_sum3A_29 = vector.multi_reduction <add>, %reduce_sum3A, %reduce_sum3A_28 [1, 2] : vector<1x16x4096xf32> to vector<1xf32>
      %reduce_sum3A_30 = vector.shape_cast %reduce_sum3A_29 : vector<1xf32> to vector<1x1x1xf32>
      %reduce_sum3A_31 = vector.extract %reduce_sum3A_30[0, 0, 0] : f32 from vector<1x1x1xf32>
      %mul3A = arith.constant 6.250000e-02 : f32
      %mul3A_32 = arith.mulf %reduce_sum3A_31, %mul3A : f32
      %reshape3A = vector.broadcast %mul3A_32 : f32 to vector<1x1xf32>
      %swap3A_33 = arith.constant 0 : index
      %swap3A_34 = arith.constant 0 : index
      %swap3A_35 = vector.load %arg3[%swap3A_33, %swap3A_34] : memref<1x1xf32, #tpu.memory_space<vmem>>, vector<1x1xf32>
      tpu.vector_store %arg3[%swap3A_33, %swap3A_34], %reshape3A {strides = array<i32>} : memref<1x1xf32, #tpu.memory_space<vmem>>, vector<1x1xf32>,
    } else {
    }
    return
  }
  func.func @transform_0(%arg0: i32) -> (i32, i32, i32) {
    %c0_i32 = arith.constant 0 : i32
    %c0_i32_0 = arith.constant 0 : i32
    %c0_i32_1 = arith.constant 0 : i32
    return %c0_i32, %c0_i32_0, %arg0 : i32, i32, i32
  }
  func.func @transform_1(%arg0: i32) -> (i32, i32) {
    %c0_i32 = arith.constant 0 : i32
    %c0_i32_0 = arith.constant 0 : i32
    return %arg0, %c0_i32 : i32, i32
  }
  func.func @transform_2(%arg0: i32) -> (i32, i32) {
    %c0_i32 = arith.constant 0 : i32
    %c0_i32_0 = arith.constant 0 : i32
    %c0_i32_1 = arith.constant 0 : i32
    return %c0_i32, %c0_i32_0 : i32, i32
  }
}

module attributes {stable_mosaic.version = 14 : i64} {
  func.func @_loss_kernel(%arg0: i32, %arg1: memref<2x16x384xf32, #tpu.memory_space<vmem>>, %arg2: memref<384x4096xbf16, #tpu.memory_space<vmem>>, %arg3: memref<1x1xf32, #tpu.memory_space<vmem>>, %arg4: memref<16x4096xf32, #tpu.memory_space<vmem>>) attributes {dimension_semantics = [#tpu.dimension_semantics<arbitrary>], iteration_bounds = array<i64: 3>, scalar_prefetch = 0 : i64, scratch_operands = 1 : i64, tpu.core_type = #tpu.core_type<tc>, window_params = [{transform_indices = @transform_0, window_bounds = array<i64: 2, 16, 384>}, {transform_indices = @transform_1, window_bounds = array<i64: 384, 4096>}, {pipeline_mode = #tpu.pipeline_mode<synchronous>, transform_indices = @transform_2, window_bounds = array<i64: 1, 1>}]} {
    %eq3A = arith.constant 0 : i32
    %eq3A_0 = arith.cmpi eq, %arg0, %eq3A : i32
    %convert_element_type3A = arith.extui %eq3A_0 : i1 to i32
    %cond3A = arith.constant 0 : i32
    %cond3A_1 = arith.cmpi ne, %convert_element_type3A, %cond3A : i32
    scf.if %cond3A_1 {
      %broadcast_in_dim3A = arith.constant 0.000000e+00 : f32
      %broadcast_in_dim3A_26 = vector.broadcast %broadcast_in_dim3A : f32 to vector<16x4096xf32>
      %swap3A_27 = arith.constant 0 : index
      %swap3A_28 = arith.constant 0 : index
      %swap3A_29 = vector.load %arg4[%swap3A_27, %swap3A_28] : memref<16x4096xf32, #tpu.memory_space<vmem>>, vector<16x4096xf32>
      tpu.vector_store %arg4[%swap3A_27, %swap3A_28], %broadcast_in_dim3A_26 {strides = array<i32>} : memref<16x4096xf32, #tpu.memory_space<vmem>>, vector<16x4096xf32>,
    } else {
    }
    %get3A = arith.constant 0 : index
    %get3A_2 = arith.constant 0 : index
    %get3A_3 = arith.constant 0 : index
    %get3A_4 = vector.load %arg1[%get3A, %get3A_2, %get3A_3] : memref<2x16x384xf32, #tpu.memory_space<vmem>>, vector<1x16x384xf32>
    %get3A_5 = vector.shape_cast %get3A_4 : vector<1x16x384xf32> to vector<16x384xf32>
    %get3A_6 = arith.constant 1 : index
    %get3A_7 = arith.constant 0 : index
    %get3A_8 = arith.constant 0 : index
    %get3A_9 = vector.load %arg1[%get3A_6, %get3A_7, %get3A_8] : memref<2x16x384xf32, #tpu.memory_space<vmem>>, vector<1x16x384xf32>
    %get3A_10 = vector.shape_cast %get3A_9 : vector<1x16x384xf32> to vector<16x384xf32>
    %sub3A = arith.subf %get3A_5, %get3A_10 : vector<16x384xf32>
    %get3A_11 = arith.constant 0 : index
    %get3A_12 = arith.constant 0 : index
    %get3A_13 = vector.load %arg2[%get3A_11, %get3A_12] : memref<384x4096xbf16, #tpu.memory_space<vmem>>, vector<384x4096xbf16>
    %convert_element_type3A_14 = arith.extf %get3A_13 : vector<384x4096xbf16> to vector<384x4096xf32>
    %get3A_15 = arith.constant 0 : index
    %get3A_16 = arith.constant 0 : index
    %get3A_17 = vector.load %arg4[%get3A_15, %get3A_16] : memref<16x4096xf32, #tpu.memory_space<vmem>>, vector<16x4096xf32>
    %dot_general3A = arith.constant dense<0.000000e+00> : vector<16x4096xf32>
    %dot_general3A_18 = tpu.matmul %sub3A, %convert_element_type3A_14, %dot_general3A {dimension_numbers = #tpu.dot_dimension_numbers<[1], [0], [0], [1], [0, 0, 1, 1], [], []>, transpose_lhs_hint = false} : vector<16x384xf32>, vector<384x4096xf32>, vector<16x4096xf32> -> vector<16x4096xf32>
    %add3A = arith.addf %get3A_17, %dot_general3A_18 : vector<16x4096xf32>
    %swap3A = arith.constant 0 : index
    %swap3A_19 = arith.constant 0 : index
    %swap3A_20 = vector.load %arg4[%swap3A, %swap3A_19] : memref<16x4096xf32, #tpu.memory_space<vmem>>, vector<16x4096xf32>
    tpu.vector_store %arg4[%swap3A, %swap3A_19], %add3A {strides = array<i32>} : memref<16x4096xf32, #tpu.memory_space<vmem>>, vector<16x4096xf32>,
    %eq3A_21 = arith.constant 2 : i32
    %eq3A_22 = arith.cmpi eq, %arg0, %eq3A_21 : i32
    %convert_element_type3A_23 = arith.extui %eq3A_22 : i1 to i32
    %cond3A_24 = arith.constant 0 : i32
    %cond3A_25 = arith.cmpi ne, %convert_element_type3A_23, %cond3A_24 : i32
    scf.if %cond3A_25 {
      %get3A_26 = arith.constant 0 : index
      %get3A_27 = arith.constant 0 : index
      %get3A_28 = vector.load %arg4[%get3A_26, %get3A_27] : memref<16x4096xf32, #tpu.memory_space<vmem>>, vector<16x4096xf32>
      %abs3A = math.absf %get3A_28 : vector<16x4096xf32>
      %reduce_sum3A = vector.shape_cast %abs3A : vector<16x4096xf32> to vector<1x16x4096xf32>
      %reduce_sum3A_29 = arith.constant dense<0.000000e+00> : vector<1xf32>
      %reduce_sum3A_30 = vector.multi_reduction <add>, %reduce_sum3A, %reduce_sum3A_29 [1, 2] : vector<1x16x4096xf32> to vector<1xf32>
      %reduce_sum3A_31 = vector.shape_cast %reduce_sum3A_30 : vector<1xf32> to vector<1x1x1xf32>
      %reduce_sum3A_32 = vector.extract %reduce_sum3A_31[0, 0, 0] : f32 from vector<1x1x1xf32>
      %mul3A = arith.constant 6.250000e-02 : f32
      %mul3A_33 = arith.mulf %reduce_sum3A_32, %mul3A : f32
      %reshape3A = vector.broadcast %mul3A_33 : f32 to vector<1x1xf32>
      %swap3A_34 = arith.constant 0 : index
      %swap3A_35 = arith.constant 0 : index
      %swap3A_36 = vector.load %arg3[%swap3A_34, %swap3A_35] : memref<1x1xf32, #tpu.memory_space<vmem>>, vector<1x1xf32>
      tpu.vector_store %arg3[%swap3A_34, %swap3A_35], %reshape3A {strides = array<i32>} : memref<1x1xf32, #tpu.memory_space<vmem>>, vector<1x1xf32>,
    } else {
    }
    return
  }
  func.func @transform_0(%arg0: i32) -> (i32, i32, i32) {
    %c0_i32 = arith.constant 0 : i32
    %c0_i32_0 = arith.constant 0 : i32
    %c0_i32_1 = arith.constant 0 : i32
    return %c0_i32, %c0_i32_0, %arg0 : i32, i32, i32
  }
  func.func @transform_1(%arg0: i32) -> (i32, i32) {
    %c0_i32 = arith.constant 0 : i32
    %c0_i32_0 = arith.constant 0 : i32
    return %arg0, %c0_i32 : i32, i32
  }
  func.func @transform_2(%arg0: i32) -> (i32, i32) {
    %c0_i32 = arith.constant 0 : i32
    %c0_i32_0 = arith.constant 0 : i32
    %c0_i32_1 = arith.constant 0 : i32
    return %c0_i32, %c0_i32_0 : i32, i32
  }
}

</mosaic_0001>

<sc_bundles>
// kernel: kernel.4.cloned.1.call-start
scs
__scs_entry_jumppad:
0x0: {  	(pc) =	sbr.rel $0x88, $3  }
0x1: {  	(tag) =	ssettag $0x0;
	lr =	simm.s32 $0x1  }
0x2: {  	[smem:$0x3F9A] =	sst lr;
	_ =	strace $0xD0000000  }
0x3: {  	_ = 	snop  }
0x4: {  	_ = 	snop  }
0x5: {  	_ = 	snop  }
0x6: {  	_ = 	snop  }
0x7: {  	_ = 	snop  }
__scs_overlays_trampoline_lowered:
0x8: {  	[smem:$0x3FA9] =	sst s0  }
0x9: {  	[smem:$0x3FAA] =	sst s1  }
0xa: {  	[smem:$0x3FAB] =	sst s2  }
0xb: {  	[smem:$0x3FAC] =	sst s3  }
0xc: {  	[smem:$0x3FAD] =	sst s4  }
0xd: {  	[smem:$0x3FAE] =	sst s5  }
0xe: {  	[smem:$0x3FAF] =	sst s6  }
0xf: {  	[smem:$0x3FB0] =	sst s7  }
0x10: {  	[smem:$0x3FB1] =	sst s8  }
0x11: {  	[smem:$0x3FB2] =	sst s9;
	s0 =	simm.s32 @!p0 $0x0  }
0x12: {  	s1 =	sld [smem:$0x3F98];
	s0 =	simm.s32 @p0 $0x1  }
0x13: {  	[smem:$0x3FB3] =	sst s0;
	s0 =	simm.s32 @!p1 $0x0  }
0x14: {  	s2 =	sld [smem:$0x3F97];
	s0 =	simm.s32 @p1 $0x1  }
0x15: {  	[smem:$0x3FB4] =	sst s0;
	s0 =	simm.s32 @!p2 $0x0  }
0x16: {  	s3 =	sld [smem:$0x3FDB];
	s0 =	simm.s32 @p2 $0x1  }
0x17: {  	s4 =	simm.s32 $0x1BF5;
	[smem:$0x3FB6] =	sst s0  }
0x18: {  	s0 =	sld [smem:$0x3F99];
	_ =	swait.ge [sflag:s4], $0x0  }
0x19: {  	s7 =	sld [smem:$0x3F9A]  }
0x1a: {  	s8 =	sadd.s32 $0xFFFFE003, lr  }
0x1b: {  	s9 =	sadd.s32 $0xFFFFFEF7, lr;
	s5 =	simm.s32 $0xFFFFFFFF;
	p2 =	slt.u32 s8, $0xFFFFF086  }
0x1c: {  	p1 =	slt.u32 s9, $0xF7A;
	s5 =	simm.s32 @!p2 $0x0  }
0x1d: {  	s5 =	simm.s32 @p1 $0x1;
	p0 =	seq.s32 s7, s2  }
0x1e: {  	s7 =	smul.u32 @!p0 $0xF7A, s2;
	p2 =	seq.s32 @!p0 s5, $0x0  }
0x1f: {  	s9 =	smul.u32 $0xF7A, s1;
	s8 =	simm.s32 @!p0 $0x1BF5;
	p2 =	por !p2, p0  }
0x20: {  	[sflag:s8] =	ssyncset.s32 @!p0 $0xFFFFF086;
	s6 =	sadd.s32 @!p0 s3, s7;
	s7 =	simm.s32 @!p0 $0x108  }
0x21: {  	s3 =	sadd.s32 s3, s9;
	s6 =	sadd.s32 @!p0 $0x88, s6;
	s7 =	simm.s32 @p2 $0x1082  }
0x22: {  	[simem:s7], [sflag:s8] =	dma.local @!p0 [hbm:s6], $0xF7A  }
0x23: {  	s9 =	sor.u32 $0xD0000000, s2;
	s6 =	simm.s32 $0x108;
	_ =	swait.ge @!p0 [sflag:s8], $0x0  }
0x24: {  	s3 =	sadd.s32 $0x88, s3;
	s6 =	simm.s32 @!p1 $0x1082;
	[sflag:s4] =	ssyncset.s32 $0xFFFFF086  }
0x25: {  	[simem:s6], [sflag:s4] =	dma.local [hbm:s3], $0xF7A  }
0x26: {  	[smem:$0x3F9A] =	sst s1;
	(tag) =	ssettag s2;
	_ =	strace s9  }
0x27: {  	s1 =	sld [smem:$0x3FAA]  }
0x28: {  	s2 =	sld [smem:$0x3FAB]  }
0x29: {  	s4 =	sld [smem:$0x3FAD]  }
0x2a: {  	p0 =	seq.s32 s5, $0x0;
	s5 =	sld [smem:$0x3FAE]  }
0x2b: {  	s6 =	sld [smem:$0x3FAF]  }
0x2c: {  	s7 =	sld [smem:$0x3FB0]  }
0x2d: {  	s3 =	simm.s32 $0x108;
	s8 =	sld [smem:$0x3FB1]  }
0x2e: {  	s3 =	simm.s32 @!p0 $0x1082;
	s9 =	sld [smem:$0x3FB2]  }
0x2f: {  	lr =	sadd.s32 s0, s3;
	s0 =	sld [smem:$0x3FA9]  }
0x30: {  	s3 =	sld [smem:$0x3FAC]  }
0x31: {  	[smem:$0x3FB5] =	sst s10  }
0x32: {  	s10 =	sld [smem:$0x3FB3];
	_ =	sdelay $0x3  }
0x33: {  	p0 =	seq.s32 s10, $0x1;
	s10 =	sld [smem:$0x3FB5];
	_ =	sdelay $0x3  }
0x34: {  	[smem:$0x3FB5] =	sst s10  }
0x35: {  	s10 =	sld [smem:$0x3FB4];
	_ =	sdelay $0x3  }
0x36: {  	p1 =	seq.s32 s10, $0x1;
	s10 =	sld [smem:$0x3FB5];
	_ =	sdelay $0x3  }
0x37: {  	[smem:$0x3FB5] =	sst s10  }
0x38: {  	s10 =	sld [smem:$0x3FB6]  }
0x39: {  	_ = 	snop;
	(pc) =	sbr.ind lr, $3  }
0x3a: {  	_ = 	snop  }
0x3b: {  	_ = 	snop  }
0x3c: {  	p2 =	seq.s32 s10, $0x1;
	s10 =	sld [smem:$0x3FB5]  }
0x3d: {  	_ =	shalt  }
0x3e: {  	_ =	shalt  }
0x3f: {  	_ =	shalt  }
0x40: {  	_ =	shalt  }
0x41: {  	_ =	shalt  }
0x42: {  	_ =	shalt  }
0x43: {  	_ =	shalt  }
0x44: {  	_ =	shalt  }
0x45: {  	_ =	shalt  }
0x46: {  	_ =	shalt  }
0x47: {  	_ =	shalt  }
0x48: {  	_ =	shalt  }
0x49: {  	_ =	shalt  }
0x4a: {  	_ =	shalt  }
0x4b: {  	_ =	shalt  }
0x4c: {  	_ =	shalt  }
0x4d: {  	_ =	shalt  }
0x4e: {  	_ =	shalt  }
0x4f: {  	_ =	shalt  }
0x50: {  	_ =	shalt  }
0x51: {  	_ =	shalt  }
0x52: {  	_ =	shalt  }
0x53: {  	_ =	shalt  }
0x54: {  	_ =	shalt  }
0x55: {  	_ =	shalt  }
0x56: {  	_ =	shalt  }
0x57: {  	_ =	shalt  }
0x58: {  	_ =	shalt  }
0x59: {  	_ =	shalt  }
0x5a: {  	_ =	shalt  }
0x5b: {  	_ =	shalt  }
0x5c: {  	_ =	shalt  }
0x5d: {  	_ =	shalt  }
0x5e: {  	_ =	shalt  }
0x5f: {  	_ =	shalt  }
0x60: {  	_ =	shalt  }
0x61: {  	_ =	shalt  }
0x62: {  	_ =	shalt  }
0x63: {  	_ =	shalt  }
0x64: {  	_ =	shalt  }
0x65: {  	_ =	shalt  }
0x66: {  	_ =	shalt  }
0x67: {  	_ =	shalt  }
0x68: {  	_ =	shalt  }
0x69: {  	_ =	shalt  }
0x6a: {  	_ =	shalt  }
0x6b: {  	_ =	shalt  }
0x6c: {  	_ =	shalt  }
0x6d: {  	_ =	shalt  }
0x6e: {  	_ =	shalt  }
0x6f: {  	_ =	shalt  }
0x70: {  	_ =	shalt  }
0x71: {  	_ =	shalt  }
0x72: {  	_ =	shalt  }
0x73: {  	_ =	shalt  }
0x74: {  	_ =	shalt  }
0x75: {  	_ =	shalt  }
0x76: {  	_ =	shalt  }
0x77: {  	_ =	shalt  }
0x78: {  	_ =	shalt  }
0x79: {  	_ =	shalt  }
0x7a: {  	_ =	shalt  }
0x7b: {  	_ =	shalt  }
0x7c: {  	_ =	shalt  }
0x7d: {  	_ =	shalt  }
0x7e: {  	_ =	shalt  }
0x7f: {  	_ =	shalt  }
0x80: {  	_ =	shalt  }
0x81: {  	_ =	shalt  }
0x82: {  	_ =	shalt  }
0x83: {  	_ =	shalt  }
0x84: {  	_ =	shalt  }
0x85: {  	_ =	shalt  }
0x86: {  	_ =	shalt  }
0x87: {  	_ =	shalt  }
.Lfunc_end0:
.L_simem_size_0:
called_computation_lowered:
.L_overlay_start_0:
0x88: {  	s2 =	sld [smem:$0x3FD9]  }
0x89: {  	s3 =	sld [smem:$0x3FFE];
	_ =	sdelay $0x1  }
0x8a: {  	s1 =	srdreg.scid  }
0x8b: {  	s0 =	sand.u32 $0x1, s1  }
0x8c: {  	s16 =	sshll.u32 s0, $0xA;
	s2 =	sadd.s32 s3, s2  }
0x8d: {  	s2 =	sadd.s32 s2, s16  }
0x8e: {  	[smem:$0x3FC1] =	sst s2  }
0x8f: {  	_ = 	snop  }
0x90: {  	(tm) =	ssettm $0x1  }
0x91: {  	s17 =	sld [smem:$0x3FFB];
	_ =	sdelay $0x3  }
0x92: {  	_ =	strace s17  }
0x93: {  	s2 =	sld [smem:$0x3FFC];
	_ =	sdelay $0x3  }
0x94: {  	_ =	strace s2  }
0x95: {  	s2 =	sld [smem:$0x3FFD];
	_ =	sdelay $0x3  }
0x96: {  	_ =	strace s2  }
0x97: {  	_ =	strace $0x8FFFFFFF  }
0x98: {  	s18 =	sld [smem:$0x3FDB];
	_ =	sdelay $0x1  }
0x99: {  	s19 =	simm.s32 $_scs_section_size  }
0x9a: {  	s4 =	simm.s32 $_size__tile_overlayer_lowered;
	s5 =	simm.s32 $_tile_overlayer_lowered  }
0x9b: {  	s22 =	simm.s32 $0x1BFF;
	s21 =	sshll.u32 s5, $0x1;
	s2 =	sadd.s32 s19, s18  }
0x9c: {  	s6 =	simm.s32 $0x0;
	s20 =	sshll.u32 s4, $0x1;
	s4 =	sadd.s32 s21, s2  }
0x9d: {  	[timem:s6], [sflag:s22] =	dma.local [hbm:s4], s20  }
0x9e: {  	_ =	swait.ge [sflag:s22], s20  }
0x9f: {  	s3 =	ssub.s32 $0x0, s20;
	[sflag:s22] =	ssyncset.done $0x0  }
0xa0: {  	[sflag:s22] =	ssyncadd.s32 s3;
	_ =	sdelay $0x1  }
0xa1: {  	s23 =	simm.s32 $0x1B8B  }
0xa2: {  	_ =	swait.ge [sflag:s23], $0x1  }
0xa3: {  	[sflag:s23] =	ssyncset.done $0x0  }
0xa4: {  	s25 =	simm.s32 $0x1B8E;
	s24 =	sld [smem:$0x3FFE];
	[sflag:s23] =	ssyncadd.s32 $0xFFFFFFFF  }
0xa5: {  	s26 =	simm.s32 $execute0_lowered;
	[smem:$0x3FD2] =	sst s25  }
0xa6: {  	s4 =	sshll.u32 s26, $0x1;
	_ =	strace $0x80000046;
	[dreg:$0x1] =	wrdreg $0xFFFFFFFF  }
0xa7: {  	s28 =	simm.s32 $_size_execute0_lowered;
	s2 =	sadd.s32 s2, s4;
	[dreg:$0x0] =	wrdreg $0x0  }
0xa8: {  	s4 =	sshll.u32 s28, $0x1;
	[dreg:$0x2] =	wrdreg s2  }
0xa9: {  	[dreg:$0x3] =	wrdreg s4  }
0xaa: {  	[dreg:$0x4] =	wrdreg $0xC0  }
0xab: {  	_ =	task [dreg:s6], $0x5FFFF  }
0xac: {  	[dreg:$0x1] =	wrdreg $0xFFFFFFFF  }
0xad: {  	[dreg:$0x0] =	wrdreg $0x60  }
0xae: {  	[dreg:$0x2] =	wrdreg s24  }
0xaf: {  	[dreg:$0x3] =	wrdreg $0x9  }
0xb0: {  	_ =	task.clear_ibuf [dreg:s6], $0x4FFFF;
	_ =	strace $0x90000046  }
0xb1: {  	s29 =	simm.s32 $0x9;
	_ =	strace $0x80000048  }
0xb2: {  	_ =	swait.ge [sflag:s29], $0x1  }
0xb3: {  	[sflag:s29] =	ssyncadd.s32 $0xFFFFFFFF  }
0xb4: {  	_ =	strace $0x90000048  }
0xb5: {  	_ =	sfence  }
0xb6: {  	s30 =	sld [smem:$0x0];
	_ =	sdelay $0x2  }
0xb7: {  	s31 =	sshll.u32 s1, $0xD;
	s1 =	sshrl.u32 s1, $0x2  }
0xb8: {  	s3 =	sand.u32 $0x4000, s31;
	s1 =	sadd.s32 s1, s30  }
0xb9: {  	s0 =	sor.u32 s3, s0;
	s1 =	sshll.u32 s1, $0x11  }
0xba: {  	s0 =	sor.u32 s1, s0  }
0xbb: {  	s0 =	sadd.s32 $0x8F2B, s0  }
0xbc: {  	[sflag:s0] =	ssyncadd.remote.s32 $0x1  }
0xbd: {  	_ =	sfence.sel $0xFFFF  }
0xbe: {  	[dreg:$0x0] =	wrdreg $0xFFFFFFFF;
	(pc) =	sbr.abs _section_cstart, $3  }
0xbf: {  	[dreg:$0x1] =	wrdreg $0xFFFFFFFF  }
0xc0: {  	_ =	task.clear_ibuf [dreg:s6], $0x2FFFF;
	_ =	strace $0x9FFFFFFF  }
0xc1: {  	(tm) =	ssettm $0x7FFFFFFF  }
tec
execute0_lowered:
.L_overlay_start_1:
0x0: {  	(tag) =	ssettag $0x1  }
0x1: {  	s3 =	rddreg [dreg:$0x0]  }
0x2: {  	s0 =	rddreg [dreg:$0x1];
	s2 =	simm.s32 $0x0  }
0x3: {  	s4 =	srdreg.scid;
	s1 =	stileid.u32;
	s8 =	simm.s32 $0x1  }
0x4: {  	s9 =	simm.s32 $0x10400;
	s10 =	simm.s32 $0x0;
	[smem:$0x7FF] =	sst s2  }
0x5: {  	s4 =	sand.u32 $0x1, s4;
	s5 =	sshll.u32 s1, $0x8;
	s6 =	sshrl.u32 s1, $0x2  }
0x6: {  	s7 =	sshll.u32 s4, $0x7;
	s5 =	sand.u32 $0x300, s5;
	s28 =	sshll.u32 s6, $0xD  }
0x7: {  	s6 =	sshll.u32 s6, $0xF;
	_ =	strace $0x80000047;
	s5 =	sor.u32 s7, s5  }
.Ltmp0:
0x8: {  	s4 =	ssub.s32 $0x2, s4;
	s7 =	sor.u32 s28, s5;
	(pc) =	sbr.rel .LBB2_1-.Ltmp0, $4  }
0x9: {  	s30 =	sshrl.u32 s4, $0x1;
	s5 =	sor.u32 s6, s5;
	s29 =	sshrl.u32 s7, $0x3  }
0xa: {  	s31 =	ssub.s32 s4, s30;
	s5 =	sshrl.u32 s5, $0x3;
	s6 =	sadd.s32 s29, s3  }
0xb: {  	v1 =	vlaneseq.u32;
	s7 =	simm.s32 $0x400;
	s5 =	sadd.s32 s5, s3;
	s3 =	sadd.s32 $0x1800, s6  }
0xc: {  	v0 =	vimm.f32 $0.0e+00;
	v2 =	vimm.f32 $1.000000000e+00;
	v1 =	vmul.u32 $0x1000, v1;
	s4 =	sadd.s32 $0x2800, s5;
	s5 =	smax.u32 s31, $0x1;
	s6 =	simm.s32 $0x80  }
.LBB2_13:
0xd: {  	s14 =	smov.u32 s11  }
.LBB2_17:
0xe: {  	v4 =	vld [tilespmem:s13+$0x0];
	_ =	sdelay $0x1  }
0xf: {  	v5 =	vld [tilespmem:s12+$0x2400];
	_ =	sdelay $0x1  }
0x10: {  	v6 =	vld [tilespmem:s12+$0x3400]  }
0x11: {  	v3 =	vadd.f32 v3, v4  }
0x12: {  	v52 =	vld [tilespmem:s12+$0x4400]  }
0x13: {  	v3 =	vadd.f32 v5, v3  }
0x14: {  	v53 =	vld [tilespmem:s12+$0x5400]  }
0x15: {  	v3 =	vadd.f32 v6, v3  }
0x16: {  	v54 =	vld [tilespmem:s12+$0x6400]  }
0x17: {  	v3 =	vadd.f32 v52, v3  }
0x18: {  	v55 =	vld [tilespmem:s12+$0x7400]  }
0x19: {  	v3 =	vadd.f32 v53, v3  }
0x1a: {  	v56 =	vld [tilespmem:s12+$0x8400]  }
0x1b: {  	v3 =	vadd.f32 v54, v3  }
0x1c: {  	v57 =	vld [tilespmem:s12+$0x9400]  }
0x1d: {  	v3 =	vadd.f32 v55, v3  }
0x1e: {  	v58 =	vld [tilespmem:s12+$0xA400]  }
0x1f: {  	v3 =	vadd.f32 v56, v3  }
0x20: {  	v59 =	vld [tilespmem:s12+$0xB400]  }
0x21: {  	v3 =	vadd.f32 v57, v3  }
0x22: {  	v60 =	vld [tilespmem:s12+$0xC400]  }
0x23: {  	v3 =	vadd.f32 v58, v3  }
0x24: {  	v61 =	vld [tilespmem:s12+$0xD400]  }
0x25: {  	v3 =	vadd.f32 v59, v3  }
0x26: {  	v62 =	vld [tilespmem:s12+$0xE400]  }
0x27: {  	v3 =	vadd.f32 v60, v3  }
0x28: {  	v63 =	vld [tilespmem:s12+$0xF400]  }
0x29: {  	v3 =	vadd.f32 v61, v3;
	_ =	sdelay $0x1  }
0x2a: {  	v3 =	vadd.f32 v62, v3;
	_ =	sdelay $0x1  }
0x2b: {  	s12 =	sadd.s32 @p0 $0x10, s14;
	v3 =	vadd.f32 v63, v3  }
0x2c: {  	s11 =	smov.u32 @p0 s12  }
0x2d: {  	[tilespmem:s11+$0x0] =	vst v3  }
.LBB2_18:
0x2e: {  	s10 =	sadd.s32 $0x1, s10  }
0x2f: {  	p0 =	sne.s32 s10, s5  }
.Ltmp1:
0x30: {  	_ = 	snop;
	(pc) =	sbr.rel @!p0 .LBB2_19-.Ltmp1, $4  }
0x31: {  	[hbm4b:s4+s6] =	stream.strided.scatter [tilespmem:s9], [sflag:$0x1], $0x1000, s7, s6, $0x38;
	[tilespmem:$0x11400] =	vst v63  }
0x32: {  	_ =	swait.ge [sflag:s8], $0x1000  }
0x33: {  	[sflag:s8] =	ssyncset.done $0x0  }
0x34: {  	[sflag:s8] =	ssyncadd.s32 $0xFFFFF000  }
.LBB2_1:
0x35: {  	[tilespmem:s2], [sflag:$0x1] =	stream.strided.gather [hbm4b:s3+s6], $0x400, s7, s6, $0x38;
	[tilespmem:$0x11400] =	vst v63  }
0x36: {  	_ =	swait.ge [sflag:s8], $0x400  }
0x37: {  	[sflag:s8] =	ssyncset.done $0x0  }
0x38: {  	s12 =	simm.s32 $0x0;
	[sflag:s8] =	ssyncadd.s32 $0xFFFFFC00  }
0x39: {  	v4 =	vimm.s32 $0xFFF;
	v3 =	vimm.s32 $0x0;
	s11 =	simm.s32 $0x40;
	v5 =	vld [tilespmem:s12+$0x0]  }
.LBB2_2:
0x3a: {  	p0 =	sne.s32 s11, $0xFC0  }
.Ltmp2:
0x3b: {  	_ = 	snop;
	(pc) =	sbr.rel @p0 .LBB2_2-.Ltmp2, $3  }
0x3c: {  	_ =	sdelay $0x1  }
0x3d: {  	s12 =	sshra.s32 s11, $0x2;
	s11 =	sadd.s32 $0x40, s11;
	vm0 =	vlt.s32 v4, v5;
	vm1 =	vgt.s32 v3, v5  }
0x3e: {  	v4 =	vsel vm0, v4, v5;
	v3 =	vsel vm1, v3, v5;
	v5 =	vld [tilespmem:s12+$0x0]  }
0x3f: {  	_ =	sdelay $0x3  }
0x40: {  	vm0 =	vlt.s32 v4, v5  }
0x41: {  	v4 =	vsel vm0, v4, v5  }
0x42: {  	vm15 =	vgt.s32 v3, v5;
	v4 =	vxor.u32 $0x80000000, v4  }
0x43: {  	v3 =	vsel vm15, v3, v5;
	(xrf0) =	vmin.scan.msk.u32 $0xffff, v4  }
0x44: {  	v3 =	vxor.u32 $0x80000000, v3  }
0x45: {  	(xrf0) =	vmax.scan.msk.u32 $0xffff, v3;
	_ =	sdelay $0x3  }
0x46: {  	v3, _, _ =	vpop (xrf0)  }
0x47: {  	(v2sf) =	vpush v3, $0xF  }
0x48: {  	v3, _, _ =	vpop (xrf0)  }
0x49: {  	(v2sf) =	vpush v3, $0xF;
	_ =	sdelay $0xc  }
0x4a: {  	s11 =	spop (v2sf)  }
0x4b: {  	s12 =	sxor.u32 $0x80000000, s11;
	p1 =	sgt.s32 s11, $0xFFFFFFFF  }
0x4c: {  	s11 =	sand.u32 $0xF, s11;
	s29 =	spop (v2sf);
	s13 =	sshra.s32 s12, $0x1F  }
0x4d: {  	p0 =	slt.s32 s12, $0x1;
	p4 =	sne.s32 s11, $0x0;
	s14 =	sxor.u32 $0x80000000, s29  }
0x4e: {  	p2 =	sgt.s32 s29, $0xFFFFFFFF;
	s11 =	sand.u32 $0xF, s29;
	p0 =	por p1, p0  }
0x4f: {  	s13 =	sshrl.u32 s13, $0x1C;
	p5 =	slt.s32 s14, $0x1;
	p6 =	sne.s32 s11, $0x0  }
0x50: {  	s31 =	sshra.s32 s14, $0x1F;
	p0 =	por !p4, !p0;
	p1 =	por p2, p5  }
0x51: {  	s12 =	sadd.s32 s13, s12;
	s13 =	simm.s32 $0x1;
	p1 =	por !p6, !p1  }
0x52: {  	s30 =	sshra.s32 s12, $0x4;
	p0 =	por !p0, !p0;
	s12 =	sshrl.u32 s31, $0x1C  }
0x53: {  	s12 =	sadd.s32 s12, s14;
	p1 =	por !p1, !p1;
	s14 =	simm.s32 $0x1  }
0x54: {  	s13 =	simm.s32 @!p0 $0x0;
	s12 =	sshra.s32 s12, $0x4;
	s14 =	simm.s32 @!p1 $0x0  }
0x55: {  	s11 =	ssub.s32 s30, s13;
	s14 =	ssub.s32 s12, s14  }
0x56: {  	p0 =	slt.s32 s14, s11  }
.Ltmp3:
0x57: {  	_ = 	snop;
	(pc) =	sbr.rel @p0 .LBB2_7-.Ltmp3, $3  }
0x58: {  	_ =	sdelay $0x1  }
0x59: {  	s13 =	simm.s32 $0xFFFFFFFF  }
0x5a: {  	s13 =	simm.s32 @!p1 $0x0  }
0x5b: {  	s14 =	sadd.s32 s13, s12  }
0x5c: {  	s14 =	ssub.s32 s14, s11  }
0x5d: {  	s17 =	sadd.s32 $0x1, s14  }
0x5e: {  	p1 =	sne.s32 s17, $0x1  }
.Ltmp4:
0x5f: {  	_ = 	snop;
	(pc) =	sbr.rel @!p1 .LBB2_6-.Ltmp4, $4  }
0x60: {  	s15 =	sshll.u32 s11, $0x6  }
0x61: {  	s31 =	sshra.s32 s15, $0x2  }
0x62: {  	s15 =	sshll.u32 s11, $0x4;
	s16 =	sadd.s32 $0x400, s31  }
0x63: {  	s14 =	sand.u32 $0xFFFFFFF0, s15;
	[tilespmem:s16+$0x0] =	vst v0;
	s17 =	sadd.s32 $0xFFFFFFFF, s17  }
.LBB2_5:
0x64: {  	p1 =	sne.s32 s17, $0x1;
	[tilespmem:s14+$0x1400] =	vst v0  }
0x65: {  	[tilespmem:s14+$0x2400] =	vst v0  }
0x66: {  	[tilespmem:s14+$0x3400] =	vst v0  }
0x67: {  	[tilespmem:s14+$0x4400] =	vst v0  }
0x68: {  	[tilespmem:s14+$0x5400] =	vst v0  }
0x69: {  	[tilespmem:s14+$0x6400] =	vst v0  }
0x6a: {  	[tilespmem:s14+$0x7400] =	vst v0  }
0x6b: {  	[tilespmem:s14+$0x8400] =	vst v0  }
0x6c: {  	[tilespmem:s14+$0x9400] =	vst v0  }
0x6d: {  	[tilespmem:s14+$0xA400] =	vst v0  }
0x6e: {  	[tilespmem:s14+$0xB400] =	vst v0  }
.Ltmp5:
0x6f: {  	[tilespmem:s14+$0xC400] =	vst v0;
	(pc) =	sbr.rel @p1 .LBB2_5-.Ltmp5, $4  }
0x70: {  	[tilespmem:s14+$0xD400] =	vst v0  }
0x71: {  	[tilespmem:s14+$0xE400] =	vst v0  }
0x72: {  	s15 =	sadd.s32 $0x10, s15;
	s16 =	sadd.s32 $0x10, s16;
	[tilespmem:s14+$0xF400] =	vst v0  }
0x73: {  	s17 =	sadd.s32 $0xFFFFFFFF, s17;
	s14 =	sand.u32 $0xFFFFFFF0, s15;
	[tilespmem:s16+$0x0] =	vst v0  }
.LBB2_6:
0x74: {  	[tilespmem:s14+$0x1400] =	vst v0  }
0x75: {  	[tilespmem:s14+$0x2400] =	vst v0  }
0x76: {  	[tilespmem:s14+$0x3400] =	vst v0  }
0x77: {  	[tilespmem:s14+$0x4400] =	vst v0  }
0x78: {  	[tilespmem:s14+$0x5400] =	vst v0  }
0x79: {  	[tilespmem:s14+$0x6400] =	vst v0  }
0x7a: {  	[tilespmem:s14+$0x7400] =	vst v0  }
0x7b: {  	[tilespmem:s14+$0x8400] =	vst v0  }
0x7c: {  	[tilespmem:s14+$0x9400] =	vst v0  }
0x7d: {  	[tilespmem:s14+$0xA400] =	vst v0  }
0x7e: {  	[tilespmem:s14+$0xB400] =	vst v0  }
0x7f: {  	[tilespmem:s14+$0xC400] =	vst v0  }
0x80: {  	[tilespmem:s14+$0xD400] =	vst v0  }
0x81: {  	[tilespmem:s14+$0xE400] =	vst v0  }
0x82: {  	[tilespmem:s14+$0xF400] =	vst v0  }
.LBB2_7:
0x83: {  	s14 =	simm.s32 $0x40;
	s15 =	simm.s32 $0x0  }
.LBB2_8:
0x84: {  	p1 =	seq.s32 s14, $0x3FC0;
	[tilespmem:s15+$0x10400] =	vst v0;
	s15 =	smov.u32 s14;
	s14 =	sadd.s32 $0x40, s14  }
.Ltmp6:
0x85: {  	(pc) =	sbr.rel @!p1 .LBB2_8-.Ltmp6, $2  }
0x86: {  	_ =	sdelay $0x2  }
0x87: {  	s15 =	sshra.s32 s15, $0x2  }
0x88: {  	[tilespmem:s15+$0x10400] =	vst v0;
	s15 =	simm.s32 $0x0;
	s14 =	simm.s32 $0x40  }
.LBB2_10:
0x89: {  	p1 =	seq.s32 s14, $0xFC0;
	v3 =	vld [tilespmem:s15+$0x0];
	_ =	sdelay $0x4  }
0x8a: {  	v3 =	vadd.s32 v1, v3  }
.Ltmp7:
0x8b: {  	(pc) =	sbr.rel @!p1 .LBB2_10-.Ltmp7, $2  }
0x8c: {  	_ =	sdelay $0x2  }
0x8d: {  	s15 =	sshra.s32 s14, $0x2;
	s14 =	sadd.s32 $0x40, s14;
	[tilespmem:v3+s7+$0x0] =	vst.idx.add.f32.msk $0xffff, v2  }
0x8e: {  	v3 =	vld [tilespmem:s15+$0x0];
	_ =	sdelay $0x4  }
0x8f: {  	v3 =	vadd.s32 v1, v3  }
.Ltmp8:
0x90: {  	_ = 	snop;
	(pc) =	sbr.rel @p0 .LBB2_18-.Ltmp8, $2  }
0x91: {  	_ =	sdelay $0x2  }
0x92: {  	[tilespmem:v3+s7+$0x0] =	vst.idx.add.f32.msk $0xffff, v2  }
0x93: {  	s12 =	sadd.s32 s13, s12  }
0x94: {  	s12 =	ssub.s32 s12, s11  }
0x95: {  	s15 =	sadd.s32 $0x1, s12  }
0x96: {  	p1 =	sne.s32 s15, $0x1  }
.Ltmp9:
0x97: {  	_ = 	snop;
	(pc) =	sbr.rel @!p1 .LBB2_13-.Ltmp9, $4  }
0x98: {  	_ = 	snop  }
0x99: {  	s30 =	sshll.u32 s11, $0x6;
	s14 =	sshll.u32 s11, $0x4  }
0x9a: {  	p0 =	por $0x0, $0x0;
	s31 =	sshra.s32 s30, $0x2;
	s12 =	sand.u32 $0xFFFFFFF0, s14  }
0x9b: {  	s13 =	sadd.s32 $0x400, s31;
	s11 =	sadd.s32 $0x10400, s31;
	v3 =	vld [tilespmem:s12+$0x1400];
	s16 =	sadd.s32 $0xFFFFFFFF, s15  }
0x9c: {  	v4 =	vld [tilespmem:s13+$0x0];
	_ =	sdelay $0x1  }
0x9d: {  	v5 =	vld [tilespmem:s12+$0x2400];
	_ =	sdelay $0x1  }
0x9e: {  	v6 =	vld [tilespmem:s12+$0x3400]  }
0x9f: {  	v3 =	vadd.f32 v3, v4  }
0xa0: {  	v4 =	vld [tilespmem:s12+$0x4400]  }
0xa1: {  	v3 =	vadd.f32 v5, v3  }
0xa2: {  	v5 =	vld [tilespmem:s12+$0x5400]  }
0xa3: {  	v3 =	vadd.f32 v6, v3  }
0xa4: {  	v60 =	vld [tilespmem:s12+$0x6400]  }
0xa5: {  	v3 =	vadd.f32 v4, v3  }
0xa6: {  	v4 =	vld [tilespmem:s12+$0x7400]  }
0xa7: {  	v3 =	vadd.f32 v5, v3  }
0xa8: {  	v5 =	vld [tilespmem:s12+$0x8400]  }
0xa9: {  	v3 =	vadd.f32 v60, v3  }
0xaa: {  	v61 =	vld [tilespmem:s12+$0x9400]  }
0xab: {  	v3 =	vadd.f32 v4, v3  }
0xac: {  	v4 =	vld [tilespmem:s12+$0xA400]  }
0xad: {  	v3 =	vadd.f32 v5, v3  }
0xae: {  	v5 =	vld [tilespmem:s12+$0xB400]  }
0xaf: {  	v3 =	vadd.f32 v61, v3  }
0xb0: {  	v62 =	vld [tilespmem:s12+$0xC400]  }
0xb1: {  	v3 =	vadd.f32 v4, v3  }
0xb2: {  	v4 =	vld [tilespmem:s12+$0xD400]  }
0xb3: {  	v3 =	vadd.f32 v5, v3  }
0xb4: {  	v5 =	vld [tilespmem:s12+$0xE400]  }
0xb5: {  	v3 =	vadd.f32 v62, v3  }
0xb6: {  	v63 =	vld [tilespmem:s12+$0xF400]  }
0xb7: {  	v3 =	vadd.f32 v4, v3;
	_ =	sdelay $0x1  }
0xb8: {  	p1 =	sne.s32 s16, $0x1;
	v3 =	vadd.f32 v5, v3  }
.Ltmp10:
0xb9: {  	_ = 	snop;
	(pc) =	sbr.rel @!p1 .LBB2_15-.Ltmp10, $4  }
0xba: {  	v3 =	vadd.f32 v63, v3  }
0xbb: {  	s15 =	sadd.s32 $0x10, s14  }
0xbc: {  	s16 =	sadd.s32 $0xFFFFFFFF, s16;
	s12 =	sand.u32 $0xFFFFFFF0, s15;
	[tilespmem:s11+$0x0] =	vst v3  }
0xbd: {  	s13 =	sadd.s32 $0x10, s13;
	p0 =	por $0x1, $0x1;
	s14 =	smov.u32 s11;
	v3 =	vld [tilespmem:s12+$0x1400]  }
.LBB2_16:
0xbe: {  	p1 =	sne.s32 s16, $0x1;
	v4 =	vld [tilespmem:s13+$0x0];
	_ =	sdelay $0x1  }
0xbf: {  	v5 =	vld [tilespmem:s12+$0x2400];
	_ =	sdelay $0x1  }
0xc0: {  	v6 =	vld [tilespmem:s12+$0x3400]  }
0xc1: {  	v3 =	vadd.f32 v3, v4  }
0xc2: {  	v4 =	vld [tilespmem:s12+$0x4400]  }
0xc3: {  	v3 =	vadd.f32 v5, v3  }
0xc4: {  	v5 =	vld [tilespmem:s12+$0x5400]  }
0xc5: {  	v3 =	vadd.f32 v6, v3  }
0xc6: {  	v6 =	vld [tilespmem:s12+$0x6400]  }
0xc7: {  	v3 =	vadd.f32 v4, v3  }
0xc8: {  	v4 =	vld [tilespmem:s12+$0x7400]  }
0xc9: {  	v3 =	vadd.f32 v5, v3  }
0xca: {  	v5 =	vld [tilespmem:s12+$0x8400]  }
0xcb: {  	v3 =	vadd.f32 v6, v3  }
0xcc: {  	v6 =	vld [tilespmem:s12+$0x9400]  }
0xcd: {  	v3 =	vadd.f32 v4, v3  }
0xce: {  	v4 =	vld [tilespmem:s12+$0xA400]  }
0xcf: {  	v3 =	vadd.f32 v5, v3  }
0xd0: {  	v5 =	vld [tilespmem:s12+$0xB400]  }
0xd1: {  	v3 =	vadd.f32 v6, v3  }
0xd2: {  	v6 =	vld [tilespmem:s12+$0xC400]  }
0xd3: {  	v3 =	vadd.f32 v4, v3  }
0xd4: {  	v4 =	vld [tilespmem:s12+$0xD400]  }
0xd5: {  	v3 =	vadd.f32 v5, v3  }
0xd6: {  	v5 =	vld [tilespmem:s12+$0xE400]  }
0xd7: {  	v3 =	vadd.f32 v6, v3  }
0xd8: {  	v6 =	vld [tilespmem:s12+$0xF400]  }
0xd9: {  	v3 =	vadd.f32 v4, v3;
	_ =	sdelay $0x1  }
0xda: {  	v3 =	vadd.f32 v5, v3  }
.Ltmp11:
0xdb: {  	(pc) =	sbr.rel @p1 .LBB2_16-.Ltmp11, $4  }
0xdc: {  	v3 =	vadd.f32 v6, v3  }
0xdd: {  	s15 =	sadd.s32 $0x10, s15;
	s14 =	sadd.s32 $0x10, s14  }
0xde: {  	s12 =	sand.u32 $0xFFFFFFF0, s15;
	[tilespmem:s14+$0x0] =	vst v3  }
0xdf: {  	s16 =	sadd.s32 $0xFFFFFFFF, s16;
	s13 =	sadd.s32 $0x10, s13;
	v3 =	vld [tilespmem:s12+$0x1400]  }
.Ltmp12:
0xe0: {  	_ = 	snop;
	(pc) =	sbr.rel .LBB2_17-.Ltmp12, $1  }
0xe1: {  	_ =	sdelay $0x3  }
.LBB2_15:
.Ltmp13:
0xe2: {  	(pc) =	sbr.rel .LBB2_17-.Ltmp13, $2  }
0xe3: {  	_ =	sdelay $0x2  }
0xe4: {  	s14 =	smov.u32 s11  }
.LBB2_19:
0xe5: {  	_ =	sfence.sel $0x180000  }
0xe6: {  	[bflag:$0x0] =	sbarrier.arrive $0xFFFF  }
0xe7: {  	p0 =	sne.s32 s1, $0x0;
	_ =	strace $0x90000047  }
0xe8: {  	s0 =	sadd.s32 @!p0 $0x100000, s0;
	[bflag:$0x2] =	sbarrier.arrive $0xFFFF  }
0xe9: {  	[sflag:s0] =	ssyncadd.tile.s32 @!p0 $0x1;
	_ =	shalt  }
.Lfunc_end2:
_tile_overlayer_lowered:
.L_overlay_start_2:
0xea: {  	(tag) =	ssettag $0x2  }
0xeb: {  	s0 =	rddreg [dreg:$0x0];
	s2 =	stileid.u32  }
0xec: {  	s1 =	rddreg [dreg:$0x1];
	p0 =	sne.s32 s2, $0x0  }
0xed: {  	s3 =	rddreg [dreg:$0x2];
	[bflag:$0x3] =	sbarrier.arrive $0xFFFF;
	s2 =	simm.s32 @!p0 $0x1C01  }
0xee: {  	[timem:s3], [sflag:s2] =	dma.local @!p0 [hbm:s0], s1  }
0xef: {  	s0 =	simm.s32 @!p0 $0x1  }
0xf0: {  	_ =	swait.ge @!p0 [sflag:s0], s1  }
0xf1: {  	s1 =	ssub.s32 @!p0 $0x0, s1;
	[sflag:s0] =	ssyncset.done @!p0 $0x0  }
0xf2: {  	[sflag:s0] =	ssyncadd.s32 @!p0 s1  }
0xf3: {  	[bflag:$0x3] =	sbarrier.arrive $0xFFFF  }
0xf4: {  	_ =	shalt  }

</sc_bundles>
